<compile_context>
chip_gen: v7x
topology: tpu7x:2x2x1
jax: 0.10.2.dev20260603
libtpu: 0.0.44.dev20260713+nightly
codegen_flags: <defaults>
</compile_context>

<pallas_src>
import functools

import jax
import jax.numpy as jnp
from jax.experimental import pallas as pl
from jax.experimental.pallas import tpu as pltpu
from jax.experimental.pallas import tpu_sc as plsc

B, N, D, K = 16, 576, 256, 8192
BN = B * N
TM = 1152
T = BN // TM
KBLK = 512
KC = K // KBLK

_NC, _NS = 2, 16
_NW = _NC * _NS
_BPW = BN // _NW


def _argmin_body(w_ref, pw_ref, pb_ref, z_ref, emb_ref, en_ref, idx_ref):
    @pl.when(pl.program_id(0) == 0)
    def _():
        e_full = jax.lax.dot_general(
            w_ref[...], pw_ref[...], (((1,), (1,)), ((), ())),
            preferred_element_type=jnp.float32) + pb_ref[...]
        emb_ref[...] = e_full
        en_ref[...] = jnp.sum(e_full * e_full, axis=1)[None, :]

    z_t = z_ref[...]
    znorm = jnp.sum(z_t * z_t, axis=1, keepdims=True)
    z2 = z_t * jnp.float32(-2.0)
    colf = jax.lax.broadcasted_iota(
        jnp.int32, (TM, KBLK), 1).astype(jnp.float32)

    run_min = jnp.full((TM,), jnp.inf, dtype=jnp.float32)
    run_idx = jnp.zeros((TM,), dtype=jnp.float32)
    for c in range(KC):
        e = emb_ref[c * KBLK:(c + 1) * KBLK, :]
        enorm = en_ref[0:1, c * KBLK:(c + 1) * KBLK]
        s = jax.lax.dot_general(z2, e, (((1,), (1,)), ((), ())),
                                preferred_element_type=jnp.float32)
        d = (znorm + enorm) + s
        m = jnp.min(d, axis=1)
        ic = jnp.min(jnp.where(d == m[:, None], colf, jnp.float32(1e9)),
                     axis=1) + jnp.float32(c * KBLK)
        better = m < run_min
        run_idx = jnp.where(better, ic, run_idx)
        run_min = jnp.minimum(run_min, m)
    idx_ref[0, 0, :] = run_idx.astype(jnp.int32)


_argmin_call = pl.pallas_call(
    _argmin_body,
    grid=(T,),
    in_specs=[
        pl.BlockSpec((K, D), lambda t: (0, 0)),
        pl.BlockSpec((D, D), lambda t: (0, 0)),
        pl.BlockSpec((1, D), lambda t: (0, 0)),
        pl.BlockSpec((TM, D), lambda t: (t, 0)),
    ],
    out_specs=[
        pl.BlockSpec((K, D), lambda t: (0, 0)),
        pl.BlockSpec((1, K), lambda t: (0, 0)),
        pl.BlockSpec((1, 1, TM), lambda t: (t, 0, 0)),
    ],
    out_shape=[
        jax.ShapeDtypeStruct((K, D), jnp.float32),
        jax.ShapeDtypeStruct((1, K), jnp.float32),
        jax.ShapeDtypeStruct((T, 1, TM), jnp.int32),
    ],
)


@functools.cache
def _make_sc_gather():
    mesh = plsc.VectorSubcoreMesh(core_axis_name="c", subcore_axis_name="s")

    @functools.partial(
        pl.kernel,
        mesh=mesh,
        out_type=jax.ShapeDtypeStruct((BN, D), jnp.float32),
        scratch_types=[
            pltpu.VMEM((_BPW,), jnp.int32),
            pltpu.VMEM((_BPW, D), jnp.float32),
            pltpu.SemaphoreType.DMA,
        ],
    )
    def _sc_gather(table_hbm, idx_hbm, out_hbm, idx_v, rows_v, sem):
        wid = jax.lax.axis_index("s") * _NC + jax.lax.axis_index("c")
        base = wid * _BPW
        pltpu.sync_copy(idx_hbm.at[pl.ds(base, _BPW)], idx_v)
        pltpu.async_copy(table_hbm.at[idx_v], rows_v, sem).wait()
        pltpu.sync_copy(rows_v, out_hbm.at[pl.ds(base, _BPW)])

    return _sc_gather


def kernel(z, emb_weight, proj_w, proj_b):
    z_flat = z.reshape(BN, D)
    emb, _, idx3 = _argmin_call(emb_weight, proj_w, proj_b.reshape(1, D), z_flat)
    q_idx = idx3.reshape(BN)
    rows = _make_sc_gather()(emb, q_idx)
    quantized = rows.reshape(z.shape)
    return (z, emb, quantized, q_idx.reshape(B, N))

# --- scband reference (transcript-rebuilt; emitter-appended) ---
"""Pipeline reference for scband-sim-vector-quantizer-14920716386721 (READ-ONLY COPY).

The authoritative reference and input builder live on the scoring server;
editing this copy changes nothing except your own understanding.
"""

import jax, jax.numpy as jnp
import numpy as np

B, N, D, K = 16, 576, 256, 8192

def setup_inputs(seed: int = 0) -> dict:
    key = jax.random.key(seed)
    k1, k2, k3, k4 = jax.random.split(key, 4)
    z = jax.random.normal(k1, (B, N, D), dtype=jnp.float32)
    emb_weight = jax.random.normal(k2, (K, D), dtype=jnp.float32) * 0.02
    proj_w = jax.random.normal(k3, (D, D), dtype=jnp.float32) * (1.0 / np.sqrt(D))
    proj_b = jnp.zeros((D,), dtype=jnp.float32)
    return {"z": z, "emb_weight": emb_weight, "proj_w": proj_w, "proj_b": proj_b}

def reference(z, emb_weight, proj_w, proj_b):
    # emb = embedding_proj(embedding.weight); l2_normalized=False, stochastic=False
    emb = emb_weight @ proj_w.T + proj_b  # [K, D]
    z_flat = z.reshape(-1, z.shape[-1])  # [B*N, D]
    # squared euclidean distance: ||z||^2 + ||e||^2 - 2 z.e
    d = (jnp.sum(z_flat ** 2, axis=1, keepdims=True)
         + jnp.sum(emb ** 2, axis=1)
         - 2.0 * jnp.einsum('bd,nd->bn', z_flat, emb))  # [B*N, K]
    q_indices = jnp.argmin(d, axis=1)  # [B*N]
    quantized = jnp.take(emb, q_indices, axis=0).reshape(z.shape)  # [B, N, D]
    # straight-through estimator
    quantized = z + jax.lax.stop_gradient(quantized - z)
    q_indices = q_indices.reshape(z.shape[0], z.shape[1])  # same_index_shape=True
    # return_dict order: unregularized_z, emb, regularized_z, bottleneck_rep
    return (z, emb, quantized, q_indices)

if __name__ == "__main__":
    import jax
    _d = setup_inputs()
    print(jax.jit(kernel)(*tuple(_d.values())))

</pallas_src>

<mosaic_0001>
#map = affine_map<(d0, d1) -> (0, 0)>
#map1 = affine_map<(d0, d1) -> (0)>
module attributes {stable_mosaic.version = 14 : i64} {
  func.func @_sc_gather(%arg0: i32, %arg1: i32, %arg2: memref<8192x256xf32, #tpu.memory_space<hbm>>, %arg3: memref<9216xi32, #tpu.memory_space<hbm>>, %arg4: memref<9216x256xf32, #tpu.memory_space<hbm>>, %arg5: memref<288xi32, #tpu.memory_space<vmem>>, %arg6: memref<288x256xf32, #tpu.memory_space<vmem>>, %arg7: memref<!tpu.dma_semaphore, #tpu.memory_space<semaphore_mem>>) attributes {dimension_semantics = [#tpu.dimension_semantics<core_parallel>, #tpu.dimension_semantics<subcore_parallel>], iteration_bounds = array<i64: 2, 16>, scalar_prefetch = 0 : i64, scratch_operands = 3 : i64, tpu.core_type = #tpu.core_type<sc_vector_subcore>, window_params = [{transform_indices = #map}, {transform_indices = #map1}, {transform_indices = #map}]} {
    %mul3A = arith.constant 2 : i32
    %mul3A_0 = arith.muli %arg1, %mul3A : i32
    %add3A = arith.addi %mul3A_0, %arg0 : i32
    %mul3A_1 = arith.constant 288 : i32
    %mul3A_2 = arith.muli %add3A, %mul3A_1 : i32
    "tpu.region"() ({
      %run_scoped3A = tpu.sem_alloc : memref<!tpu.dma_semaphore, #tpu.memory_space<semaphore_mem>>
      %dma_start3A_7 = tpu.memref_slice %arg3[%mul3A_2] : memref<9216xi32, #tpu.memory_space<hbm>> -> memref<288xi32, #tpu.memory_space<hbm>>
      %dma_start3A_8 = tpu.memref_slice %arg3[%mul3A_2] : memref<9216xi32, #tpu.memory_space<hbm>> -> memref<288xi32, #tpu.memory_space<hbm>>
      tpu.enqueue_dma source(%dma_start3A_8 : memref<288xi32, #tpu.memory_space<hbm>>) target(%arg5 : memref<288xi32, #tpu.memory_space<vmem>>) target_semaphore(%run_scoped3A : memref<!tpu.dma_semaphore, #tpu.memory_space<semaphore_mem>>)
      %dma_wait3A_9 = tpu.memref_slice %arg3[%mul3A_2] : memref<9216xi32, #tpu.memory_space<hbm>> -> memref<288xi32, #tpu.memory_space<hbm>>
      %dma_wait3A_10 = tpu.memref_slice %arg3[%mul3A_2] : memref<9216xi32, #tpu.memory_space<hbm>> -> memref<288xi32, #tpu.memory_space<hbm>>
      tpu.wait_dma2 semaphore(%run_scoped3A : memref<!tpu.dma_semaphore, #tpu.memory_space<semaphore_mem>>) src(%dma_wait3A_10 : memref<288xi32, #tpu.memory_space<hbm>>) dst(%arg5 : memref<288xi32, #tpu.memory_space<vmem>>)
      tpu.yield
    }) : () -> ()
    %dma_start3A = arith.constant 0 : i32
    %dma_start3A_3 = arith.constant 0 : i32
    %dma_start3A_4 = tpu.memref_slice %arg2[%dma_start3A, %dma_start3A_3] : memref<8192x256xf32, #tpu.memory_space<hbm>> -> memref<8192x256xf32, #tpu.memory_space<hbm>>
    tpu.enqueue_indirect_dma source(%dma_start3A_4 : memref<8192x256xf32, #tpu.memory_space<hbm>>) target(%arg6 : memref<288x256xf32, #tpu.memory_space<vmem>>) offsets(%arg5 : memref<288xi32, #tpu.memory_space<vmem>>) semaphore(%arg7 : memref<!tpu.dma_semaphore, #tpu.memory_space<semaphore_mem>>)
    %dma_wait3A = arith.constant 0 : i32
    %dma_wait3A_5 = arith.constant 0 : i32
    %dma_wait3A_6 = tpu.memref_slice %arg2[%dma_wait3A, %dma_wait3A_5] : memref<8192x256xf32, #tpu.memory_space<hbm>> -> memref<8192x256xf32, #tpu.memory_space<hbm>>
    tpu.wait_indirect_dma semaphore(%arg7 : memref<!tpu.dma_semaphore, #tpu.memory_space<semaphore_mem>>) src(%dma_wait3A_6 : memref<8192x256xf32, #tpu.memory_space<hbm>>) dst(%arg6 : memref<288x256xf32, #tpu.memory_space<vmem>>)
    "tpu.region"() ({
      %run_scoped3A = tpu.sem_alloc : memref<!tpu.dma_semaphore, #tpu.memory_space<semaphore_mem>>
      %dma_start3A_7 = arith.constant 0 : i32
      %dma_start3A_8 = tpu.memref_slice %arg4[%mul3A_2, %dma_start3A_7] : memref<9216x256xf32, #tpu.memory_space<hbm>> -> memref<288x256xf32, #tpu.memory_space<hbm>>
      %dma_start3A_9 = arith.constant 0 : i32
      %dma_start3A_10 = tpu.memref_slice %arg4[%mul3A_2, %dma_start3A_9] : memref<9216x256xf32, #tpu.memory_space<hbm>> -> memref<288x256xf32, #tpu.memory_space<hbm>>
      tpu.enqueue_dma source(%arg6 : memref<288x256xf32, #tpu.memory_space<vmem>>) target(%dma_start3A_10 : memref<288x256xf32, #tpu.memory_space<hbm>>) target_semaphore(%run_scoped3A : memref<!tpu.dma_semaphore, #tpu.memory_space<semaphore_mem>>)
      %dma_wait3A_11 = arith.constant 0 : i32
      %dma_wait3A_12 = tpu.memref_slice %arg4[%mul3A_2, %dma_wait3A_11] : memref<9216x256xf32, #tpu.memory_space<hbm>> -> memref<288x256xf32, #tpu.memory_space<hbm>>
      %dma_wait3A_13 = arith.constant 0 : i32
      %dma_wait3A_14 = tpu.memref_slice %arg4[%mul3A_2, %dma_wait3A_13] : memref<9216x256xf32, #tpu.memory_space<hbm>> -> memref<288x256xf32, #tpu.memory_space<hbm>>
      tpu.wait_dma2 semaphore(%run_scoped3A : memref<!tpu.dma_semaphore, #tpu.memory_space<semaphore_mem>>) src(%arg6 : memref<288x256xf32, #tpu.memory_space<vmem>>) dst(%dma_wait3A_14 : memref<288x256xf32, #tpu.memory_space<hbm>>)
      tpu.yield
    }) : () -> ()
    return
  }
}

module attributes {stable_mosaic.version = 14 : i64} {
  func.func @_argmin_body(%arg0: i32, %arg1: memref<8192x256xf32, #tpu.memory_space<vmem>>, %arg2: memref<256x256xf32, #tpu.memory_space<vmem>>, %arg3: memref<1x256xf32, #tpu.memory_space<vmem>>, %arg4: memref<1152x256xf32, #tpu.memory_space<vmem>>, %arg5: memref<8192x256xf32, #tpu.memory_space<vmem>>, %arg6: memref<1x8192xf32, #tpu.memory_space<vmem>>, %arg7: memref<1x1x1152xi32, #tpu.memory_space<vmem>>) attributes {dimension_semantics = [#tpu.dimension_semantics<arbitrary>], iteration_bounds = array<i64: 8>, scalar_prefetch = 0 : i64, scratch_operands = 0 : i64, tpu.core_type = #tpu.core_type<tc>, window_params = [{pipeline_mode = #tpu.pipeline_mode<synchronous>, transform_indices = @transform_0, window_bounds = array<i64: 8192, 256>}, {pipeline_mode = #tpu.pipeline_mode<synchronous>, transform_indices = @transform_1, window_bounds = array<i64: 256, 256>}, {pipeline_mode = #tpu.pipeline_mode<synchronous>, transform_indices = @transform_2, window_bounds = array<i64: 1, 256>}, {transform_indices = @transform_3, window_bounds = array<i64: 1152, 256>}, {pipeline_mode = #tpu.pipeline_mode<synchronous>, transform_indices = @transform_4, window_bounds = array<i64: 8192, 256>}, {pipeline_mode = #tpu.pipeline_mode<synchronous>, transform_indices = @transform_5, window_bounds = array<i64: 1, 8192>}, {transform_indices = @transform_6, window_bounds = array<i64: 1, 1, 1152>}]} {
    %eq3A = arith.constant 0 : i32
    %eq3A_0 = arith.cmpi eq, %arg0, %eq3A : i32
    %convert_element_type3A = arith.extui %eq3A_0 : i1 to i32
    %cond3A = arith.constant 0 : i32
    %cond3A_1 = arith.cmpi ne, %convert_element_type3A, %cond3A : i32
    scf.if %cond3A_1 {
      %get3A_459 = arith.constant 0 : index
      %get3A_460 = arith.constant 0 : index
      %get3A_461 = vector.load %arg1[%get3A_459, %get3A_460] : memref<8192x256xf32, #tpu.memory_space<vmem>>, vector<8192x256xf32>
      %get3A_462 = arith.constant 0 : index
      %get3A_463 = arith.constant 0 : index
      %get3A_464 = vector.load %arg2[%get3A_462, %get3A_463] : memref<256x256xf32, #tpu.memory_space<vmem>>, vector<256x256xf32>
      %dot_general3A_465 = arith.constant dense<0.000000e+00> : vector<8192x256xf32>
      %dot_general3A_466 = tpu.matmul %get3A_461, %get3A_464, %dot_general3A_465 {dimension_numbers = #tpu.dot_dimension_numbers<[1], [1], [0], [0], [0, 0, 1, 0], [], []>, transpose_lhs_hint = false} : vector<8192x256xf32>, vector<256x256xf32>, vector<8192x256xf32> -> vector<8192x256xf32>
      %get3A_467 = arith.constant 0 : index
      %get3A_468 = arith.constant 0 : index
      %get3A_469 = vector.load %arg3[%get3A_467, %get3A_468] : memref<1x256xf32, #tpu.memory_space<vmem>>, vector<1x256xf32>
      %add3A_470 = vector.broadcast %get3A_469 : vector<1x256xf32> to vector<8192x256xf32>
      %add3A_471 = arith.addf %dot_general3A_466, %add3A_470 : vector<8192x256xf32>
      %swap3A_472 = arith.constant 0 : index
      %swap3A_473 = arith.constant 0 : index
      %swap3A_474 = vector.load %arg5[%swap3A_472, %swap3A_473] : memref<8192x256xf32, #tpu.memory_space<vmem>>, vector<8192x256xf32>
      tpu.vector_store %arg5[%swap3A_472, %swap3A_473], %add3A_471 {strides = array<i32>} : memref<8192x256xf32, #tpu.memory_space<vmem>>, vector<8192x256xf32>,
      %mul3A_475 = arith.mulf %add3A_471, %add3A_471 : vector<8192x256xf32>
      %reduce_sum3A_476 = arith.constant dense<0.000000e+00> : vector<8192xf32>
      %reduce_sum3A_477 = vector.multi_reduction <add>, %mul3A_475, %reduce_sum3A_476 [1] : vector<8192x256xf32> to vector<8192xf32>
      %broadcast_in_dim3A_478 = vector.shape_cast %reduce_sum3A_477 : vector<8192xf32> to vector<1x8192xf32>
      %swap3A_479 = arith.constant 0 : index
      %swap3A_480 = arith.constant 0 : index
      %swap3A_481 = vector.load %arg6[%swap3A_479, %swap3A_480] : memref<1x8192xf32, #tpu.memory_space<vmem>>, vector<1x8192xf32>
      tpu.vector_store %arg6[%swap3A_479, %swap3A_480], %broadcast_in_dim3A_478 {strides = array<i32>} : memref<1x8192xf32, #tpu.memory_space<vmem>>, vector<1x8192xf32>,
    } else {
    }
    %get3A = arith.constant 0 : index
    %get3A_2 = arith.constant 0 : index
    %get3A_3 = vector.load %arg4[%get3A, %get3A_2] : memref<1152x256xf32, #tpu.memory_space<vmem>>, vector<1152x256xf32>
    %mul3A = arith.mulf %get3A_3, %get3A_3 : vector<1152x256xf32>
    %reduce_sum3A = arith.constant dense<0.000000e+00> : vector<1152xf32>
    %reduce_sum3A_4 = vector.multi_reduction <add>, %mul3A, %reduce_sum3A [1] : vector<1152x256xf32> to vector<1152xf32>
    %broadcast_in_dim3A = vector.shape_cast %reduce_sum3A_4 : vector<1152xf32> to vector<1152x1xf32>
    %mul3A_5 = arith.constant -2.000000e+00 : f32
    %mul3A_6 = vector.broadcast %mul3A_5 : f32 to vector<1152x256xf32>
    %mul3A_7 = arith.mulf %get3A_3, %mul3A_6 : vector<1152x256xf32>
    %iota3A = tpu.iota {dimensions = array<i32: 1>} : vector<1152x512xi32>
    %convert_element_type3A_8 = arith.sitofp %iota3A : vector<1152x512xi32> to vector<1152x512xf32>
    %broadcast_in_dim3A_9 = arith.constant 0x7F800000 : f32
    %broadcast_in_dim3A_10 = vector.broadcast %broadcast_in_dim3A_9 : f32 to vector<1152xf32>
    %broadcast_in_dim3A_11 = arith.constant 0.000000e+00 : f32
    %broadcast_in_dim3A_12 = vector.broadcast %broadcast_in_dim3A_11 : f32 to vector<1152xf32>
    %get3A_13 = arith.constant 0 : index
    %get3A_14 = arith.constant 0 : index
    %get3A_15 = vector.load %arg5[%get3A_13, %get3A_14] : memref<8192x256xf32, #tpu.memory_space<vmem>>, vector<512x256xf32>
    %get3A_16 = arith.constant 0 : index
    %get3A_17 = arith.constant 0 : index
    %get3A_18 = vector.load %arg6[%get3A_16, %get3A_17] : memref<1x8192xf32, #tpu.memory_space<vmem>>, vector<1x512xf32>
    %dot_general3A = arith.constant dense<0.000000e+00> : vector<1152x512xf32>
    %dot_general3A_19 = tpu.matmul %mul3A_7, %get3A_15, %dot_general3A {dimension_numbers = #tpu.dot_dimension_numbers<[1], [1], [0], [0], [0, 0, 1, 0], [], []>, transpose_lhs_hint = false} : vector<1152x256xf32>, vector<512x256xf32>, vector<1152x512xf32> -> vector<1152x512xf32>
    %add3A = vector.broadcast %broadcast_in_dim3A : vector<1152x1xf32> to vector<1152x512xf32>
    %add3A_20 = vector.broadcast %get3A_18 : vector<1x512xf32> to vector<1152x512xf32>
    %add3A_21 = arith.addf %add3A, %add3A_20 : vector<1152x512xf32>
    %add3A_22 = arith.addf %add3A_21, %dot_general3A_19 : vector<1152x512xf32>
    %reduce_min3A = arith.constant dense<0x7F800000> : vector<1152xf32>
    %reduce_min3A_23 = vector.multi_reduction <minimumf>, %add3A_22, %reduce_min3A [1] : vector<1152x512xf32> to vector<1152xf32>
    %broadcast_in_dim3A_24 = vector.shape_cast %reduce_min3A_23 : vector<1152xf32> to vector<1152x1xf32>
    %eq3A_25 = vector.broadcast %broadcast_in_dim3A_24 : vector<1152x1xf32> to vector<1152x512xf32>
    %eq3A_26 = arith.cmpf oeq, %add3A_22, %eq3A_25 : vector<1152x512xf32>
    %jit3A = arith.constant 1.000000e+09 : f32
    %broadcast_in_dim3A_27 = vector.broadcast %jit3A : f32 to vector<1152x512xf32>
    %select_n3A = arith.select %eq3A_26, %convert_element_type3A_8, %broadcast_in_dim3A_27 : vector<1152x512xi1>, vector<1152x512xf32>
    %reduce_min3A_28 = arith.constant dense<0x7F800000> : vector<1152xf32>
    %reduce_min3A_29 = vector.multi_reduction <minimumf>, %select_n3A, %reduce_min3A_28 [1] : vector<1152x512xf32> to vector<1152xf32>
    %add3A_30 = arith.constant 0.000000e+00 : f32
    %add3A_31 = vector.broadcast %add3A_30 : f32 to vector<1152xf32>
    %add3A_32 = arith.addf %reduce_min3A_29, %add3A_31 : vector<1152xf32>
    %lt3A = arith.cmpf olt, %reduce_min3A_23, %broadcast_in_dim3A_10 : vector<1152xf32>
    %select_n3A_33 = arith.select %lt3A, %add3A_32, %broadcast_in_dim3A_12 : vector<1152xi1>, vector<1152xf32>
    %min3A = arith.minimumf %broadcast_in_dim3A_10, %reduce_min3A_23 : vector<1152xf32>
    %get3A_34 = arith.constant 512 : index
    %get3A_35 = arith.constant 0 : index
    %get3A_36 = vector.load %arg5[%get3A_34, %get3A_35] : memref<8192x256xf32, #tpu.memory_space<vmem>>, vector<512x256xf32>
    %get3A_37 = arith.constant 0 : index
    %get3A_38 = arith.constant 512 : index
    %get3A_39 = vector.load %arg6[%get3A_37, %get3A_38] : memref<1x8192xf32, #tpu.memory_space<vmem>>, vector<1x512xf32>
    %dot_general3A_40 = arith.constant dense<0.000000e+00> : vector<1152x512xf32>
    %dot_general3A_41 = tpu.matmul %mul3A_7, %get3A_36, %dot_general3A_40 {dimension_numbers = #tpu.dot_dimension_numbers<[1], [1], [0], [0], [0, 0, 1, 0], [], []>, transpose_lhs_hint = false} : vector<1152x256xf32>, vector<512x256xf32>, vector<1152x512xf32> -> vector<1152x512xf32>
    %add3A_42 = vector.broadcast %broadcast_in_dim3A : vector<1152x1xf32> to vector<1152x512xf32>
    %add3A_43 = vector.broadcast %get3A_39 : vector<1x512xf32> to vector<1152x512xf32>
    %add3A_44 = arith.addf %add3A_42, %add3A_43 : vector<1152x512xf32>
    %add3A_45 = arith.addf %add3A_44, %dot_general3A_41 : vector<1152x512xf32>
    %reduce_min3A_46 = arith.constant dense<0x7F800000> : vector<1152xf32>
    %reduce_min3A_47 = vector.multi_reduction <minimumf>, %add3A_45, %reduce_min3A_46 [1] : vector<1152x512xf32> to vector<1152xf32>
    %broadcast_in_dim3A_48 = vector.shape_cast %reduce_min3A_47 : vector<1152xf32> to vector<1152x1xf32>
    %eq3A_49 = vector.broadcast %broadcast_in_dim3A_48 : vector<1152x1xf32> to vector<1152x512xf32>
    %eq3A_50 = arith.cmpf oeq, %add3A_45, %eq3A_49 : vector<1152x512xf32>
    %jit3A_51 = arith.constant 1.000000e+09 : f32
    %broadcast_in_dim3A_52 = vector.broadcast %jit3A_51 : f32 to vector<1152x512xf32>
    %select_n3A_53 = arith.select %eq3A_50, %convert_element_type3A_8, %broadcast_in_dim3A_52 : vector<1152x512xi1>, vector<1152x512xf32>
    %reduce_min3A_54 = arith.constant dense<0x7F800000> : vector<1152xf32>
    %reduce_min3A_55 = vector.multi_reduction <minimumf>, %select_n3A_53, %reduce_min3A_54 [1] : vector<1152x512xf32> to vector<1152xf32>
    %add3A_56 = arith.constant 5.120000e+02 : f32
    %add3A_57 = vector.broadcast %add3A_56 : f32 to vector<1152xf32>
    %add3A_58 = arith.addf %reduce_min3A_55, %add3A_57 : vector<1152xf32>
    %lt3A_59 = arith.cmpf olt, %reduce_min3A_47, %min3A : vector<1152xf32>
    %select_n3A_60 = arith.select %lt3A_59, %add3A_58, %select_n3A_33 : vector<1152xi1>, vector<1152xf32>
    %min3A_61 = arith.minimumf %min3A, %reduce_min3A_47 : vector<1152xf32>
    %get3A_62 = arith.constant 1024 : index
    %get3A_63 = arith.constant 0 : index
    %get3A_64 = vector.load %arg5[%get3A_62, %get3A_63] : memref<8192x256xf32, #tpu.memory_space<vmem>>, vector<512x256xf32>
    %get3A_65 = arith.constant 0 : index
    %get3A_66 = arith.constant 1024 : index
    %get3A_67 = vector.load %arg6[%get3A_65, %get3A_66] : memref<1x8192xf32, #tpu.memory_space<vmem>>, vector<1x512xf32>
    %dot_general3A_68 = arith.constant dense<0.000000e+00> : vector<1152x512xf32>
    %dot_general3A_69 = tpu.matmul %mul3A_7, %get3A_64, %dot_general3A_68 {dimension_numbers = #tpu.dot_dimension_numbers<[1], [1], [0], [0], [0, 0, 1, 0], [], []>, transpose_lhs_hint = false} : vector<1152x256xf32>, vector<512x256xf32>, vector<1152x512xf32> -> vector<1152x512xf32>
    %add3A_70 = vector.broadcast %broadcast_in_dim3A : vector<1152x1xf32> to vector<1152x512xf32>
    %add3A_71 = vector.broadcast %get3A_67 : vector<1x512xf32> to vector<1152x512xf32>
    %add3A_72 = arith.addf %add3A_70, %add3A_71 : vector<1152x512xf32>
    %add3A_73 = arith.addf %add3A_72, %dot_general3A_69 : vector<1152x512xf32>
    %reduce_min3A_74 = arith.constant dense<0x7F800000> : vector<1152xf32>
    %reduce_min3A_75 = vector.multi_reduction <minimumf>, %add3A_73, %reduce_min3A_74 [1] : vector<1152x512xf32> to vector<1152xf32>
    %broadcast_in_dim3A_76 = vector.shape_cast %reduce_min3A_75 : vector<1152xf32> to vector<1152x1xf32>
    %eq3A_77 = vector.broadcast %broadcast_in_dim3A_76 : vector<1152x1xf32> to vector<1152x512xf32>
    %eq3A_78 = arith.cmpf oeq, %add3A_73, %eq3A_77 : vector<1152x512xf32>
    %jit3A_79 = arith.constant 1.000000e+09 : f32
    %broadcast_in_dim3A_80 = vector.broadcast %jit3A_79 : f32 to vector<1152x512xf32>
    %select_n3A_81 = arith.select %eq3A_78, %convert_element_type3A_8, %broadcast_in_dim3A_80 : vector<1152x512xi1>, vector<1152x512xf32>
    %reduce_min3A_82 = arith.constant dense<0x7F800000> : vector<1152xf32>
    %reduce_min3A_83 = vector.multi_reduction <minimumf>, %select_n3A_81, %reduce_min3A_82 [1] : vector<1152x512xf32> to vector<1152xf32>
    %add3A_84 = arith.constant 1.024000e+03 : f32
    %add3A_85 = vector.broadcast %add3A_84 : f32 to vector<1152xf32>
    %add3A_86 = arith.addf %reduce_min3A_83, %add3A_85 : vector<1152xf32>
    %lt3A_87 = arith.cmpf olt, %reduce_min3A_75, %min3A_61 : vector<1152xf32>
    %select_n3A_88 = arith.select %lt3A_87, %add3A_86, %select_n3A_60 : vector<1152xi1>, vector<1152xf32>
    %min3A_89 = arith.minimumf %min3A_61, %reduce_min3A_75 : vector<1152xf32>
    %get3A_90 = arith.constant 1536 : index
    %get3A_91 = arith.constant 0 : index
    %get3A_92 = vector.load %arg5[%get3A_90, %get3A_91] : memref<8192x256xf32, #tpu.memory_space<vmem>>, vector<512x256xf32>
    %get3A_93 = arith.constant 0 : index
    %get3A_94 = arith.constant 1536 : index
    %get3A_95 = vector.load %arg6[%get3A_93, %get3A_94] : memref<1x8192xf32, #tpu.memory_space<vmem>>, vector<1x512xf32>
    %dot_general3A_96 = arith.constant dense<0.000000e+00> : vector<1152x512xf32>
    %dot_general3A_97 = tpu.matmul %mul3A_7, %get3A_92, %dot_general3A_96 {dimension_numbers = #tpu.dot_dimension_numbers<[1], [1], [0], [0], [0, 0, 1, 0], [], []>, transpose_lhs_hint = false} : vector<1152x256xf32>, vector<512x256xf32>, vector<1152x512xf32> -> vector<1152x512xf32>
    %add3A_98 = vector.broadcast %broadcast_in_dim3A : vector<1152x1xf32> to vector<1152x512xf32>
    %add3A_99 = vector.broadcast %get3A_95 : vector<1x512xf32> to vector<1152x512xf32>
    %add3A_100 = arith.addf %add3A_98, %add3A_99 : vector<1152x512xf32>
    %add3A_101 = arith.addf %add3A_100, %dot_general3A_97 : vector<1152x512xf32>
    %reduce_min3A_102 = arith.constant dense<0x7F800000> : vector<1152xf32>
    %reduce_min3A_103 = vector.multi_reduction <minimumf>, %add3A_101, %reduce_min3A_102 [1] : vector<1152x512xf32> to vector<1152xf32>
    %broadcast_in_dim3A_104 = vector.shape_cast %reduce_min3A_103 : vector<1152xf32> to vector<1152x1xf32>
    %eq3A_105 = vector.broadcast %broadcast_in_dim3A_104 : vector<1152x1xf32> to vector<1152x512xf32>
    %eq3A_106 = arith.cmpf oeq, %add3A_101, %eq3A_105 : vector<1152x512xf32>
    %jit3A_107 = arith.constant 1.000000e+09 : f32
    %broadcast_in_dim3A_108 = vector.broadcast %jit3A_107 : f32 to vector<1152x512xf32>
    %select_n3A_109 = arith.select %eq3A_106, %convert_element_type3A_8, %broadcast_in_dim3A_108 : vector<1152x512xi1>, vector<1152x512xf32>
    %reduce_min3A_110 = arith.constant dense<0x7F800000> : vector<1152xf32>
    %reduce_min3A_111 = vector.multi_reduction <minimumf>, %select_n3A_109, %reduce_min3A_110 [1] : vector<1152x512xf32> to vector<1152xf32>
    %add3A_112 = arith.constant 1.536000e+03 : f32
    %add3A_113 = vector.broadcast %add3A_112 : f32 to vector<1152xf32>
    %add3A_114 = arith.addf %reduce_min3A_111, %add3A_113 : vector<1152xf32>
    %lt3A_115 = arith.cmpf olt, %reduce_min3A_103, %min3A_89 : vector<1152xf32>
    %select_n3A_116 = arith.select %lt3A_115, %add3A_114, %select_n3A_88 : vector<1152xi1>, vector<1152xf32>
    %min3A_117 = arith.minimumf %min3A_89, %reduce_min3A_103 : vector<1152xf32>
    %get3A_118 = arith.constant 2048 : index
    %get3A_119 = arith.constant 0 : index
    %get3A_120 = vector.load %arg5[%get3A_118, %get3A_119] : memref<8192x256xf32, #tpu.memory_space<vmem>>, vector<512x256xf32>
    %get3A_121 = arith.constant 0 : index
    %get3A_122 = arith.constant 2048 : index
    %get3A_123 = vector.load %arg6[%get3A_121, %get3A_122] : memref<1x8192xf32, #tpu.memory_space<vmem>>, vector<1x512xf32>
    %dot_general3A_124 = arith.constant dense<0.000000e+00> : vector<1152x512xf32>
    %dot_general3A_125 = tpu.matmul %mul3A_7, %get3A_120, %dot_general3A_124 {dimension_numbers = #tpu.dot_dimension_numbers<[1], [1], [0], [0], [0, 0, 1, 0], [], []>, transpose_lhs_hint = false} : vector<1152x256xf32>, vector<512x256xf32>, vector<1152x512xf32> -> vector<1152x512xf32>
    %add3A_126 = vector.broadcast %broadcast_in_dim3A : vector<1152x1xf32> to vector<1152x512xf32>
    %add3A_127 = vector.broadcast %get3A_123 : vector<1x512xf32> to vector<1152x512xf32>
    %add3A_128 = arith.addf %add3A_126, %add3A_127 : vector<1152x512xf32>
    %add3A_129 = arith.addf %add3A_128, %dot_general3A_125 : vector<1152x512xf32>
    %reduce_min3A_130 = arith.constant dense<0x7F800000> : vector<1152xf32>
    %reduce_min3A_131 = vector.multi_reduction <minimumf>, %add3A_129, %reduce_min3A_130 [1] : vector<1152x512xf32> to vector<1152xf32>
    %broadcast_in_dim3A_132 = vector.shape_cast %reduce_min3A_131 : vector<1152xf32> to vector<1152x1xf32>
    %eq3A_133 = vector.broadcast %broadcast_in_dim3A_132 : vector<1152x1xf32> to vector<1152x512xf32>
    %eq3A_134 = arith.cmpf oeq, %add3A_129, %eq3A_133 : vector<1152x512xf32>
    %jit3A_135 = arith.constant 1.000000e+09 : f32
    %broadcast_in_dim3A_136 = vector.broadcast %jit3A_135 : f32 to vector<1152x512xf32>
    %select_n3A_137 = arith.select %eq3A_134, %convert_element_type3A_8, %broadcast_in_dim3A_136 : vector<1152x512xi1>, vector<1152x512xf32>
    %reduce_min3A_138 = arith.constant dense<0x7F800000> : vector<1152xf32>
    %reduce_min3A_139 = vector.multi_reduction <minimumf>, %select_n3A_137, %reduce_min3A_138 [1] : vector<1152x512xf32> to vector<1152xf32>
    %add3A_140 = arith.constant 2.048000e+03 : f32
    %add3A_141 = vector.broadcast %add3A_140 : f32 to vector<1152xf32>
    %add3A_142 = arith.addf %reduce_min3A_139, %add3A_141 : vector<1152xf32>
    %lt3A_143 = arith.cmpf olt, %reduce_min3A_131, %min3A_117 : vector<1152xf32>
    %select_n3A_144 = arith.select %lt3A_143, %add3A_142, %select_n3A_116 : vector<1152xi1>, vector<1152xf32>
    %min3A_145 = arith.minimumf %min3A_117, %reduce_min3A_131 : vector<1152xf32>
    %get3A_146 = arith.constant 2560 : index
    %get3A_147 = arith.constant 0 : index
    %get3A_148 = vector.load %arg5[%get3A_146, %get3A_147] : memref<8192x256xf32, #tpu.memory_space<vmem>>, vector<512x256xf32>
    %get3A_149 = arith.constant 0 : index
    %get3A_150 = arith.constant 2560 : index
    %get3A_151 = vector.load %arg6[%get3A_149, %get3A_150] : memref<1x8192xf32, #tpu.memory_space<vmem>>, vector<1x512xf32>
    %dot_general3A_152 = arith.constant dense<0.000000e+00> : vector<1152x512xf32>
    %dot_general3A_153 = tpu.matmul %mul3A_7, %get3A_148, %dot_general3A_152 {dimension_numbers = #tpu.dot_dimension_numbers<[1], [1], [0], [0], [0, 0, 1, 0], [], []>, transpose_lhs_hint = false} : vector<1152x256xf32>, vector<512x256xf32>, vector<1152x512xf32> -> vector<1152x512xf32>
    %add3A_154 = vector.broadcast %broadcast_in_dim3A : vector<1152x1xf32> to vector<1152x512xf32>
    %add3A_155 = vector.broadcast %get3A_151 : vector<1x512xf32> to vector<1152x512xf32>
    %add3A_156 = arith.addf %add3A_154, %add3A_155 : vector<1152x512xf32>
    %add3A_157 = arith.addf %add3A_156, %dot_general3A_153 : vector<1152x512xf32>
    %reduce_min3A_158 = arith.constant dense<0x7F800000> : vector<1152xf32>
    %reduce_min3A_159 = vector.multi_reduction <minimumf>, %add3A_157, %reduce_min3A_158 [1] : vector<1152x512xf32> to vector<1152xf32>
    %broadcast_in_dim3A_160 = vector.shape_cast %reduce_min3A_159 : vector<1152xf32> to vector<1152x1xf32>
    %eq3A_161 = vector.broadcast %broadcast_in_dim3A_160 : vector<1152x1xf32> to vector<1152x512xf32>
    %eq3A_162 = arith.cmpf oeq, %add3A_157, %eq3A_161 : vector<1152x512xf32>
    %jit3A_163 = arith.constant 1.000000e+09 : f32
    %broadcast_in_dim3A_164 = vector.broadcast %jit3A_163 : f32 to vector<1152x512xf32>
    %select_n3A_165 = arith.select %eq3A_162, %convert_element_type3A_8, %broadcast_in_dim3A_164 : vector<1152x512xi1>, vector<1152x512xf32>
    %reduce_min3A_166 = arith.constant dense<0x7F800000> : vector<1152xf32>
    %reduce_min3A_167 = vector.multi_reduction <minimumf>, %select_n3A_165, %reduce_min3A_166 [1] : vector<1152x512xf32> to vector<1152xf32>
    %add3A_168 = arith.constant 2.560000e+03 : f32
    %add3A_169 = vector.broadcast %add3A_168 : f32 to vector<1152xf32>
    %add3A_170 = arith.addf %reduce_min3A_167, %add3A_169 : vector<1152xf32>
    %lt3A_171 = arith.cmpf olt, %reduce_min3A_159, %min3A_145 : vector<1152xf32>
    %select_n3A_172 = arith.select %lt3A_171, %add3A_170, %select_n3A_144 : vector<1152xi1>, vector<1152xf32>
    %min3A_173 = arith.minimumf %min3A_145, %reduce_min3A_159 : vector<1152xf32>
    %get3A_174 = arith.constant 3072 : index
    %get3A_175 = arith.constant 0 : index
    %get3A_176 = vector.load %arg5[%get3A_174, %get3A_175] : memref<8192x256xf32, #tpu.memory_space<vmem>>, vector<512x256xf32>
    %get3A_177 = arith.constant 0 : index
    %get3A_178 = arith.constant 3072 : index
    %get3A_179 = vector.load %arg6[%get3A_177, %get3A_178] : memref<1x8192xf32, #tpu.memory_space<vmem>>, vector<1x512xf32>
    %dot_general3A_180 = arith.constant dense<0.000000e+00> : vector<1152x512xf32>
    %dot_general3A_181 = tpu.matmul %mul3A_7, %get3A_176, %dot_general3A_180 {dimension_numbers = #tpu.dot_dimension_numbers<[1], [1], [0], [0], [0, 0, 1, 0], [], []>, transpose_lhs_hint = false} : vector<1152x256xf32>, vector<512x256xf32>, vector<1152x512xf32> -> vector<1152x512xf32>
    %add3A_182 = vector.broadcast %broadcast_in_dim3A : vector<1152x1xf32> to vector<1152x512xf32>
    %add3A_183 = vector.broadcast %get3A_179 : vector<1x512xf32> to vector<1152x512xf32>
    %add3A_184 = arith.addf %add3A_182, %add3A_183 : vector<1152x512xf32>
    %add3A_185 = arith.addf %add3A_184, %dot_general3A_181 : vector<1152x512xf32>
    %reduce_min3A_186 = arith.constant dense<0x7F800000> : vector<1152xf32>
    %reduce_min3A_187 = vector.multi_reduction <minimumf>, %add3A_185, %reduce_min3A_186 [1] : vector<1152x512xf32> to vector<1152xf32>
    %broadcast_in_dim3A_188 = vector.shape_cast %reduce_min3A_187 : vector<1152xf32> to vector<1152x1xf32>
    %eq3A_189 = vector.broadcast %broadcast_in_dim3A_188 : vector<1152x1xf32> to vector<1152x512xf32>
    %eq3A_190 = arith.cmpf oeq, %add3A_185, %eq3A_189 : vector<1152x512xf32>
    %jit3A_191 = arith.constant 1.000000e+09 : f32
    %broadcast_in_dim3A_192 = vector.broadcast %jit3A_191 : f32 to vector<1152x512xf32>
    %select_n3A_193 = arith.select %eq3A_190, %convert_element_type3A_8, %broadcast_in_dim3A_192 : vector<1152x512xi1>, vector<1152x512xf32>
    %reduce_min3A_194 = arith.constant dense<0x7F800000> : vector<1152xf32>
    %reduce_min3A_195 = vector.multi_reduction <minimumf>, %select_n3A_193, %reduce_min3A_194 [1] : vector<1152x512xf32> to vector<1152xf32>
    %add3A_196 = arith.constant 3.072000e+03 : f32
    %add3A_197 = vector.broadcast %add3A_196 : f32 to vector<1152xf32>
    %add3A_198 = arith.addf %reduce_min3A_195, %add3A_197 : vector<1152xf32>
    %lt3A_199 = arith.cmpf olt, %reduce_min3A_187, %min3A_173 : vector<1152xf32>
    %select_n3A_200 = arith.select %lt3A_199, %add3A_198, %select_n3A_172 : vector<1152xi1>, vector<1152xf32>
    %min3A_201 = arith.minimumf %min3A_173, %reduce_min3A_187 : vector<1152xf32>
    %get3A_202 = arith.constant 3584 : index
    %get3A_203 = arith.constant 0 : index
    %get3A_204 = vector.load %arg5[%get3A_202, %get3A_203] : memref<8192x256xf32, #tpu.memory_space<vmem>>, vector<512x256xf32>
    %get3A_205 = arith.constant 0 : index
    %get3A_206 = arith.constant 3584 : index
    %get3A_207 = vector.load %arg6[%get3A_205, %get3A_206] : memref<1x8192xf32, #tpu.memory_space<vmem>>, vector<1x512xf32>
    %dot_general3A_208 = arith.constant dense<0.000000e+00> : vector<1152x512xf32>
    %dot_general3A_209 = tpu.matmul %mul3A_7, %get3A_204, %dot_general3A_208 {dimension_numbers = #tpu.dot_dimension_numbers<[1], [1], [0], [0], [0, 0, 1, 0], [], []>, transpose_lhs_hint = false} : vector<1152x256xf32>, vector<512x256xf32>, vector<1152x512xf32> -> vector<1152x512xf32>
    %add3A_210 = vector.broadcast %broadcast_in_dim3A : vector<1152x1xf32> to vector<1152x512xf32>
    %add3A_211 = vector.broadcast %get3A_207 : vector<1x512xf32> to vector<1152x512xf32>
    %add3A_212 = arith.addf %add3A_210, %add3A_211 : vector<1152x512xf32>
    %add3A_213 = arith.addf %add3A_212, %dot_general3A_209 : vector<1152x512xf32>
    %reduce_min3A_214 = arith.constant dense<0x7F800000> : vector<1152xf32>
    %reduce_min3A_215 = vector.multi_reduction <minimumf>, %add3A_213, %reduce_min3A_214 [1] : vector<1152x512xf32> to vector<1152xf32>
    %broadcast_in_dim3A_216 = vector.shape_cast %reduce_min3A_215 : vector<1152xf32> to vector<1152x1xf32>
    %eq3A_217 = vector.broadcast %broadcast_in_dim3A_216 : vector<1152x1xf32> to vector<1152x512xf32>
    %eq3A_218 = arith.cmpf oeq, %add3A_213, %eq3A_217 : vector<1152x512xf32>
    %jit3A_219 = arith.constant 1.000000e+09 : f32
    %broadcast_in_dim3A_220 = vector.broadcast %jit3A_219 : f32 to vector<1152x512xf32>
    %select_n3A_221 = arith.select %eq3A_218, %convert_element_type3A_8, %broadcast_in_dim3A_220 : vector<1152x512xi1>, vector<1152x512xf32>
    %reduce_min3A_222 = arith.constant dense<0x7F800000> : vector<1152xf32>
    %reduce_min3A_223 = vector.multi_reduction <minimumf>, %select_n3A_221, %reduce_min3A_222 [1] : vector<1152x512xf32> to vector<1152xf32>
    %add3A_224 = arith.constant 3.584000e+03 : f32
    %add3A_225 = vector.broadcast %add3A_224 : f32 to vector<1152xf32>
    %add3A_226 = arith.addf %reduce_min3A_223, %add3A_225 : vector<1152xf32>
    %lt3A_227 = arith.cmpf olt, %reduce_min3A_215, %min3A_201 : vector<1152xf32>
    %select_n3A_228 = arith.select %lt3A_227, %add3A_226, %select_n3A_200 : vector<1152xi1>, vector<1152xf32>
    %min3A_229 = arith.minimumf %min3A_201, %reduce_min3A_215 : vector<1152xf32>
    %get3A_230 = arith.constant 4096 : index
    %get3A_231 = arith.constant 0 : index
    %get3A_232 = vector.load %arg5[%get3A_230, %get3A_231] : memref<8192x256xf32, #tpu.memory_space<vmem>>, vector<512x256xf32>
    %get3A_233 = arith.constant 0 : index
    %get3A_234 = arith.constant 4096 : index
    %get3A_235 = vector.load %arg6[%get3A_233, %get3A_234] : memref<1x8192xf32, #tpu.memory_space<vmem>>, vector<1x512xf32>
    %dot_general3A_236 = arith.constant dense<0.000000e+00> : vector<1152x512xf32>
    %dot_general3A_237 = tpu.matmul %mul3A_7, %get3A_232, %dot_general3A_236 {dimension_numbers = #tpu.dot_dimension_numbers<[1], [1], [0], [0], [0, 0, 1, 0], [], []>, transpose_lhs_hint = false} : vector<1152x256xf32>, vector<512x256xf32>, vector<1152x512xf32> -> vector<1152x512xf32>
    %add3A_238 = vector.broadcast %broadcast_in_dim3A : vector<1152x1xf32> to vector<1152x512xf32>
    %add3A_239 = vector.broadcast %get3A_235 : vector<1x512xf32> to vector<1152x512xf32>
    %add3A_240 = arith.addf %add3A_238, %add3A_239 : vector<1152x512xf32>
    %add3A_241 = arith.addf %add3A_240, %dot_general3A_237 : vector<1152x512xf32>
    %reduce_min3A_242 = arith.constant dense<0x7F800000> : vector<1152xf32>
    %reduce_min3A_243 = vector.multi_reduction <minimumf>, %add3A_241, %reduce_min3A_242 [1] : vector<1152x512xf32> to vector<1152xf32>
    %broadcast_in_dim3A_244 = vector.shape_cast %reduce_min3A_243 : vector<1152xf32> to vector<1152x1xf32>
    %eq3A_245 = vector.broadcast %broadcast_in_dim3A_244 : vector<1152x1xf32> to vector<1152x512xf32>
    %eq3A_246 = arith.cmpf oeq, %add3A_241, %eq3A_245 : vector<1152x512xf32>
    %jit3A_247 = arith.constant 1.000000e+09 : f32
    %broadcast_in_dim3A_248 = vector.broadcast %jit3A_247 : f32 to vector<1152x512xf32>
    %select_n3A_249 = arith.select %eq3A_246, %convert_element_type3A_8, %broadcast_in_dim3A_248 : vector<1152x512xi1>, vector<1152x512xf32>
    %reduce_min3A_250 = arith.constant dense<0x7F800000> : vector<1152xf32>
    %reduce_min3A_251 = vector.multi_reduction <minimumf>, %select_n3A_249, %reduce_min3A_250 [1] : vector<1152x512xf32> to vector<1152xf32>
    %add3A_252 = arith.constant 4.096000e+03 : f32
    %add3A_253 = vector.broadcast %add3A_252 : f32 to vector<1152xf32>
    %add3A_254 = arith.addf %reduce_min3A_251, %add3A_253 : vector<1152xf32>
    %lt3A_255 = arith.cmpf olt, %reduce_min3A_243, %min3A_229 : vector<1152xf32>
    %select_n3A_256 = arith.select %lt3A_255, %add3A_254, %select_n3A_228 : vector<1152xi1>, vector<1152xf32>
    %min3A_257 = arith.minimumf %min3A_229, %reduce_min3A_243 : vector<1152xf32>
    %get3A_258 = arith.constant 4608 : index
    %get3A_259 = arith.constant 0 : index
    %get3A_260 = vector.load %arg5[%get3A_258, %get3A_259] : memref<8192x256xf32, #tpu.memory_space<vmem>>, vector<512x256xf32>
    %get3A_261 = arith.constant 0 : index
    %get3A_262 = arith.constant 4608 : index
    %get3A_263 = vector.load %arg6[%get3A_261, %get3A_262] : memref<1x8192xf32, #tpu.memory_space<vmem>>, vector<1x512xf32>
    %dot_general3A_264 = arith.constant dense<0.000000e+00> : vector<1152x512xf32>
    %dot_general3A_265 = tpu.matmul %mul3A_7, %get3A_260, %dot_general3A_264 {dimension_numbers = #tpu.dot_dimension_numbers<[1], [1], [0], [0], [0, 0, 1, 0], [], []>, transpose_lhs_hint = false} : vector<1152x256xf32>, vector<512x256xf32>, vector<1152x512xf32> -> vector<1152x512xf32>
    %add3A_266 = vector.broadcast %broadcast_in_dim3A : vector<1152x1xf32> to vector<1152x512xf32>
    %add3A_267 = vector.broadcast %get3A_263 : vector<1x512xf32> to vector<1152x512xf32>
    %add3A_268 = arith.addf %add3A_266, %add3A_267 : vector<1152x512xf32>
    %add3A_269 = arith.addf %add3A_268, %dot_general3A_265 : vector<1152x512xf32>
    %reduce_min3A_270 = arith.constant dense<0x7F800000> : vector<1152xf32>
    %reduce_min3A_271 = vector.multi_reduction <minimumf>, %add3A_269, %reduce_min3A_270 [1] : vector<1152x512xf32> to vector<1152xf32>
    %broadcast_in_dim3A_272 = vector.shape_cast %reduce_min3A_271 : vector<1152xf32> to vector<1152x1xf32>
    %eq3A_273 = vector.broadcast %broadcast_in_dim3A_272 : vector<1152x1xf32> to vector<1152x512xf32>
    %eq3A_274 = arith.cmpf oeq, %add3A_269, %eq3A_273 : vector<1152x512xf32>
    %jit3A_275 = arith.constant 1.000000e+09 : f32
    %broadcast_in_dim3A_276 = vector.broadcast %jit3A_275 : f32 to vector<1152x512xf32>
    %select_n3A_277 = arith.select %eq3A_274, %convert_element_type3A_8, %broadcast_in_dim3A_276 : vector<1152x512xi1>, vector<1152x512xf32>
    %reduce_min3A_278 = arith.constant dense<0x7F800000> : vector<1152xf32>
    %reduce_min3A_279 = vector.multi_reduction <minimumf>, %select_n3A_277, %reduce_min3A_278 [1] : vector<1152x512xf32> to vector<1152xf32>
    %add3A_280 = arith.constant 4.608000e+03 : f32
    %add3A_281 = vector.broadcast %add3A_280 : f32 to vector<1152xf32>
    %add3A_282 = arith.addf %reduce_min3A_279, %add3A_281 : vector<1152xf32>
    %lt3A_283 = arith.cmpf olt, %reduce_min3A_271, %min3A_257 : vector<1152xf32>
    %select_n3A_284 = arith.select %lt3A_283, %add3A_282, %select_n3A_256 : vector<1152xi1>, vector<1152xf32>
    %min3A_285 = arith.minimumf %min3A_257, %reduce_min3A_271 : vector<1152xf32>
    %get3A_286 = arith.constant 5120 : index
    %get3A_287 = arith.constant 0 : index
    %get3A_288 = vector.load %arg5[%get3A_286, %get3A_287] : memref<8192x256xf32, #tpu.memory_space<vmem>>, vector<512x256xf32>
    %get3A_289 = arith.constant 0 : index
    %get3A_290 = arith.constant 5120 : index
    %get3A_291 = vector.load %arg6[%get3A_289, %get3A_290] : memref<1x8192xf32, #tpu.memory_space<vmem>>, vector<1x512xf32>
    %dot_general3A_292 = arith.constant dense<0.000000e+00> : vector<1152x512xf32>
    %dot_general3A_293 = tpu.matmul %mul3A_7, %get3A_288, %dot_general3A_292 {dimension_numbers = #tpu.dot_dimension_numbers<[1], [1], [0], [0], [0, 0, 1, 0], [], []>, transpose_lhs_hint = false} : vector<1152x256xf32>, vector<512x256xf32>, vector<1152x512xf32> -> vector<1152x512xf32>
    %add3A_294 = vector.broadcast %broadcast_in_dim3A : vector<1152x1xf32> to vector<1152x512xf32>
    %add3A_295 = vector.broadcast %get3A_291 : vector<1x512xf32> to vector<1152x512xf32>
    %add3A_296 = arith.addf %add3A_294, %add3A_295 : vector<1152x512xf32>
    %add3A_297 = arith.addf %add3A_296, %dot_general3A_293 : vector<1152x512xf32>
    %reduce_min3A_298 = arith.constant dense<0x7F800000> : vector<1152xf32>
    %reduce_min3A_299 = vector.multi_reduction <minimumf>, %add3A_297, %reduce_min3A_298 [1] : vector<1152x512xf32> to vector<1152xf32>
    %broadcast_in_dim3A_300 = vector.shape_cast %reduce_min3A_299 : vector<1152xf32> to vector<1152x1xf32>
    %eq3A_301 = vector.broadcast %broadcast_in_dim3A_300 : vector<1152x1xf32> to vector<1152x512xf32>
    %eq3A_302 = arith.cmpf oeq, %add3A_297, %eq3A_301 : vector<1152x512xf32>
    %jit3A_303 = arith.constant 1.000000e+09 : f32
    %broadcast_in_dim3A_304 = vector.broadcast %jit3A_303 : f32 to vector<1152x512xf32>
    %select_n3A_305 = arith.select %eq3A_302, %convert_element_type3A_8, %broadcast_in_dim3A_304 : vector<1152x512xi1>, vector<1152x512xf32>
    %reduce_min3A_306 = arith.constant dense<0x7F800000> : vector<1152xf32>
    %reduce_min3A_307 = vector.multi_reduction <minimumf>, %select_n3A_305, %reduce_min3A_306 [1] : vector<1152x512xf32> to vector<1152xf32>
    %add3A_308 = arith.constant 5.120000e+03 : f32
    %add3A_309 = vector.broadcast %add3A_308 : f32 to vector<1152xf32>
    %add3A_310 = arith.addf %reduce_min3A_307, %add3A_309 : vector<1152xf32>
    %lt3A_311 = arith.cmpf olt, %reduce_min3A_299, %min3A_285 : vector<1152xf32>
    %select_n3A_312 = arith.select %lt3A_311, %add3A_310, %select_n3A_284 : vector<1152xi1>, vector<1152xf32>
    %min3A_313 = arith.minimumf %min3A_285, %reduce_min3A_299 : vector<1152xf32>
    %get3A_314 = arith.constant 5632 : index
    %get3A_315 = arith.constant 0 : index
    %get3A_316 = vector.load %arg5[%get3A_314, %get3A_315] : memref<8192x256xf32, #tpu.memory_space<vmem>>, vector<512x256xf32>
    %get3A_317 = arith.constant 0 : index
    %get3A_318 = arith.constant 5632 : index
    %get3A_319 = vector.load %arg6[%get3A_317, %get3A_318] : memref<1x8192xf32, #tpu.memory_space<vmem>>, vector<1x512xf32>
    %dot_general3A_320 = arith.constant dense<0.000000e+00> : vector<1152x512xf32>
    %dot_general3A_321 = tpu.matmul %mul3A_7, %get3A_316, %dot_general3A_320 {dimension_numbers = #tpu.dot_dimension_numbers<[1], [1], [0], [0], [0, 0, 1, 0], [], []>, transpose_lhs_hint = false} : vector<1152x256xf32>, vector<512x256xf32>, vector<1152x512xf32> -> vector<1152x512xf32>
    %add3A_322 = vector.broadcast %broadcast_in_dim3A : vector<1152x1xf32> to vector<1152x512xf32>
    %add3A_323 = vector.broadcast %get3A_319 : vector<1x512xf32> to vector<1152x512xf32>
    %add3A_324 = arith.addf %add3A_322, %add3A_323 : vector<1152x512xf32>
    %add3A_325 = arith.addf %add3A_324, %dot_general3A_321 : vector<1152x512xf32>
    %reduce_min3A_326 = arith.constant dense<0x7F800000> : vector<1152xf32>
    %reduce_min3A_327 = vector.multi_reduction <minimumf>, %add3A_325, %reduce_min3A_326 [1] : vector<1152x512xf32> to vector<1152xf32>
    %broadcast_in_dim3A_328 = vector.shape_cast %reduce_min3A_327 : vector<1152xf32> to vector<1152x1xf32>
    %eq3A_329 = vector.broadcast %broadcast_in_dim3A_328 : vector<1152x1xf32> to vector<1152x512xf32>
    %eq3A_330 = arith.cmpf oeq, %add3A_325, %eq3A_329 : vector<1152x512xf32>
    %jit3A_331 = arith.constant 1.000000e+09 : f32
    %broadcast_in_dim3A_332 = vector.broadcast %jit3A_331 : f32 to vector<1152x512xf32>
    %select_n3A_333 = arith.select %eq3A_330, %convert_element_type3A_8, %broadcast_in_dim3A_332 : vector<1152x512xi1>, vector<1152x512xf32>
    %reduce_min3A_334 = arith.constant dense<0x7F800000> : vector<1152xf32>
    %reduce_min3A_335 = vector.multi_reduction <minimumf>, %select_n3A_333, %reduce_min3A_334 [1] : vector<1152x512xf32> to vector<1152xf32>
    %add3A_336 = arith.constant 5.632000e+03 : f32
    %add3A_337 = vector.broadcast %add3A_336 : f32 to vector<1152xf32>
    %add3A_338 = arith.addf %reduce_min3A_335, %add3A_337 : vector<1152xf32>
    %lt3A_339 = arith.cmpf olt, %reduce_min3A_327, %min3A_313 : vector<1152xf32>
    %select_n3A_340 = arith.select %lt3A_339, %add3A_338, %select_n3A_312 : vector<1152xi1>, vector<1152xf32>
    %min3A_341 = arith.minimumf %min3A_313, %reduce_min3A_327 : vector<1152xf32>
    %get3A_342 = arith.constant 6144 : index
    %get3A_343 = arith.constant 0 : index
    %get3A_344 = vector.load %arg5[%get3A_342, %get3A_343] : memref<8192x256xf32, #tpu.memory_space<vmem>>, vector<512x256xf32>
    %get3A_345 = arith.constant 0 : index
    %get3A_346 = arith.constant 6144 : index
    %get3A_347 = vector.load %arg6[%get3A_345, %get3A_346] : memref<1x8192xf32, #tpu.memory_space<vmem>>, vector<1x512xf32>
    %dot_general3A_348 = arith.constant dense<0.000000e+00> : vector<1152x512xf32>
    %dot_general3A_349 = tpu.matmul %mul3A_7, %get3A_344, %dot_general3A_348 {dimension_numbers = #tpu.dot_dimension_numbers<[1], [1], [0], [0], [0, 0, 1, 0], [], []>, transpose_lhs_hint = false} : vector<1152x256xf32>, vector<512x256xf32>, vector<1152x512xf32> -> vector<1152x512xf32>
    %add3A_350 = vector.broadcast %broadcast_in_dim3A : vector<1152x1xf32> to vector<1152x512xf32>
    %add3A_351 = vector.broadcast %get3A_347 : vector<1x512xf32> to vector<1152x512xf32>
    %add3A_352 = arith.addf %add3A_350, %add3A_351 : vector<1152x512xf32>
    %add3A_353 = arith.addf %add3A_352, %dot_general3A_349 : vector<1152x512xf32>
    %reduce_min3A_354 = arith.constant dense<0x7F800000> : vector<1152xf32>
    %reduce_min3A_355 = vector.multi_reduction <minimumf>, %add3A_353, %reduce_min3A_354 [1] : vector<1152x512xf32> to vector<1152xf32>
    %broadcast_in_dim3A_356 = vector.shape_cast %reduce_min3A_355 : vector<1152xf32> to vector<1152x1xf32>
    %eq3A_357 = vector.broadcast %broadcast_in_dim3A_356 : vector<1152x1xf32> to vector<1152x512xf32>
    %eq3A_358 = arith.cmpf oeq, %add3A_353, %eq3A_357 : vector<1152x512xf32>
    %jit3A_359 = arith.constant 1.000000e+09 : f32
    %broadcast_in_dim3A_360 = vector.broadcast %jit3A_359 : f32 to vector<1152x512xf32>
    %select_n3A_361 = arith.select %eq3A_358, %convert_element_type3A_8, %broadcast_in_dim3A_360 : vector<1152x512xi1>, vector<1152x512xf32>
    %reduce_min3A_362 = arith.constant dense<0x7F800000> : vector<1152xf32>
    %reduce_min3A_363 = vector.multi_reduction <minimumf>, %select_n3A_361, %reduce_min3A_362 [1] : vector<1152x512xf32> to vector<1152xf32>
    %add3A_364 = arith.constant 6.144000e+03 : f32
    %add3A_365 = vector.broadcast %add3A_364 : f32 to vector<1152xf32>
    %add3A_366 = arith.addf %reduce_min3A_363, %add3A_365 : vector<1152xf32>
    %lt3A_367 = arith.cmpf olt, %reduce_min3A_355, %min3A_341 : vector<1152xf32>
    %select_n3A_368 = arith.select %lt3A_367, %add3A_366, %select_n3A_340 : vector<1152xi1>, vector<1152xf32>
    %min3A_369 = arith.minimumf %min3A_341, %reduce_min3A_355 : vector<1152xf32>
    %get3A_370 = arith.constant 6656 : index
    %get3A_371 = arith.constant 0 : index
    %get3A_372 = vector.load %arg5[%get3A_370, %get3A_371] : memref<8192x256xf32, #tpu.memory_space<vmem>>, vector<512x256xf32>
    %get3A_373 = arith.constant 0 : index
    %get3A_374 = arith.constant 6656 : index
    %get3A_375 = vector.load %arg6[%get3A_373, %get3A_374] : memref<1x8192xf32, #tpu.memory_space<vmem>>, vector<1x512xf32>
    %dot_general3A_376 = arith.constant dense<0.000000e+00> : vector<1152x512xf32>
    %dot_general3A_377 = tpu.matmul %mul3A_7, %get3A_372, %dot_general3A_376 {dimension_numbers = #tpu.dot_dimension_numbers<[1], [1], [0], [0], [0, 0, 1, 0], [], []>, transpose_lhs_hint = false} : vector<1152x256xf32>, vector<512x256xf32>, vector<1152x512xf32> -> vector<1152x512xf32>
    %add3A_378 = vector.broadcast %broadcast_in_dim3A : vector<1152x1xf32> to vector<1152x512xf32>
    %add3A_379 = vector.broadcast %get3A_375 : vector<1x512xf32> to vector<1152x512xf32>
    %add3A_380 = arith.addf %add3A_378, %add3A_379 : vector<1152x512xf32>
    %add3A_381 = arith.addf %add3A_380, %dot_general3A_377 : vector<1152x512xf32>
    %reduce_min3A_382 = arith.constant dense<0x7F800000> : vector<1152xf32>
    %reduce_min3A_383 = vector.multi_reduction <minimumf>, %add3A_381, %reduce_min3A_382 [1] : vector<1152x512xf32> to vector<1152xf32>
    %broadcast_in_dim3A_384 = vector.shape_cast %reduce_min3A_383 : vector<1152xf32> to vector<1152x1xf32>
    %eq3A_385 = vector.broadcast %broadcast_in_dim3A_384 : vector<1152x1xf32> to vector<1152x512xf32>
    %eq3A_386 = arith.cmpf oeq, %add3A_381, %eq3A_385 : vector<1152x512xf32>
    %jit3A_387 = arith.constant 1.000000e+09 : f32
    %broadcast_in_dim3A_388 = vector.broadcast %jit3A_387 : f32 to vector<1152x512xf32>
    %select_n3A_389 = arith.select %eq3A_386, %convert_element_type3A_8, %broadcast_in_dim3A_388 : vector<1152x512xi1>, vector<1152x512xf32>
    %reduce_min3A_390 = arith.constant dense<0x7F800000> : vector<1152xf32>
    %reduce_min3A_391 = vector.multi_reduction <minimumf>, %select_n3A_389, %reduce_min3A_390 [1] : vector<1152x512xf32> to vector<1152xf32>
    %add3A_392 = arith.constant 6.656000e+03 : f32
    %add3A_393 = vector.broadcast %add3A_392 : f32 to vector<1152xf32>
    %add3A_394 = arith.addf %reduce_min3A_391, %add3A_393 : vector<1152xf32>
    %lt3A_395 = arith.cmpf olt, %reduce_min3A_383, %min3A_369 : vector<1152xf32>
    %select_n3A_396 = arith.select %lt3A_395, %add3A_394, %select_n3A_368 : vector<1152xi1>, vector<1152xf32>
    %min3A_397 = arith.minimumf %min3A_369, %reduce_min3A_383 : vector<1152xf32>
    %get3A_398 = arith.constant 7168 : index
    %get3A_399 = arith.constant 0 : index
    %get3A_400 = vector.load %arg5[%get3A_398, %get3A_399] : memref<8192x256xf32, #tpu.memory_space<vmem>>, vector<512x256xf32>
    %get3A_401 = arith.constant 0 : index
    %get3A_402 = arith.constant 7168 : index
    %get3A_403 = vector.load %arg6[%get3A_401, %get3A_402] : memref<1x8192xf32, #tpu.memory_space<vmem>>, vector<1x512xf32>
    %dot_general3A_404 = arith.constant dense<0.000000e+00> : vector<1152x512xf32>
    %dot_general3A_405 = tpu.matmul %mul3A_7, %get3A_400, %dot_general3A_404 {dimension_numbers = #tpu.dot_dimension_numbers<[1], [1], [0], [0], [0, 0, 1, 0], [], []>, transpose_lhs_hint = false} : vector<1152x256xf32>, vector<512x256xf32>, vector<1152x512xf32> -> vector<1152x512xf32>
    %add3A_406 = vector.broadcast %broadcast_in_dim3A : vector<1152x1xf32> to vector<1152x512xf32>
    %add3A_407 = vector.broadcast %get3A_403 : vector<1x512xf32> to vector<1152x512xf32>
    %add3A_408 = arith.addf %add3A_406, %add3A_407 : vector<1152x512xf32>
    %add3A_409 = arith.addf %add3A_408, %dot_general3A_405 : vector<1152x512xf32>
    %reduce_min3A_410 = arith.constant dense<0x7F800000> : vector<1152xf32>
    %reduce_min3A_411 = vector.multi_reduction <minimumf>, %add3A_409, %reduce_min3A_410 [1] : vector<1152x512xf32> to vector<1152xf32>
    %broadcast_in_dim3A_412 = vector.shape_cast %reduce_min3A_411 : vector<1152xf32> to vector<1152x1xf32>
    %eq3A_413 = vector.broadcast %broadcast_in_dim3A_412 : vector<1152x1xf32> to vector<1152x512xf32>
    %eq3A_414 = arith.cmpf oeq, %add3A_409, %eq3A_413 : vector<1152x512xf32>
    %jit3A_415 = arith.constant 1.000000e+09 : f32
    %broadcast_in_dim3A_416 = vector.broadcast %jit3A_415 : f32 to vector<1152x512xf32>
    %select_n3A_417 = arith.select %eq3A_414, %convert_element_type3A_8, %broadcast_in_dim3A_416 : vector<1152x512xi1>, vector<1152x512xf32>
    %reduce_min3A_418 = arith.constant dense<0x7F800000> : vector<1152xf32>
    %reduce_min3A_419 = vector.multi_reduction <minimumf>, %select_n3A_417, %reduce_min3A_418 [1] : vector<1152x512xf32> to vector<1152xf32>
    %add3A_420 = arith.constant 7.168000e+03 : f32
    %add3A_421 = vector.broadcast %add3A_420 : f32 to vector<1152xf32>
    %add3A_422 = arith.addf %reduce_min3A_419, %add3A_421 : vector<1152xf32>
    %lt3A_423 = arith.cmpf olt, %reduce_min3A_411, %min3A_397 : vector<1152xf32>
    %select_n3A_424 = arith.select %lt3A_423, %add3A_422, %select_n3A_396 : vector<1152xi1>, vector<1152xf32>
    %min3A_425 = arith.minimumf %min3A_397, %reduce_min3A_411 : vector<1152xf32>
    %get3A_426 = arith.constant 7680 : index
    %get3A_427 = arith.constant 0 : index
    %get3A_428 = vector.load %arg5[%get3A_426, %get3A_427] : memref<8192x256xf32, #tpu.memory_space<vmem>>, vector<512x256xf32>
    %get3A_429 = arith.constant 0 : index
    %get3A_430 = arith.constant 7680 : index
    %get3A_431 = vector.load %arg6[%get3A_429, %get3A_430] : memref<1x8192xf32, #tpu.memory_space<vmem>>, vector<1x512xf32>
    %dot_general3A_432 = arith.constant dense<0.000000e+00> : vector<1152x512xf32>
    %dot_general3A_433 = tpu.matmul %mul3A_7, %get3A_428, %dot_general3A_432 {dimension_numbers = #tpu.dot_dimension_numbers<[1], [1], [0], [0], [0, 0, 1, 0], [], []>, transpose_lhs_hint = false} : vector<1152x256xf32>, vector<512x256xf32>, vector<1152x512xf32> -> vector<1152x512xf32>
    %add3A_434 = vector.broadcast %broadcast_in_dim3A : vector<1152x1xf32> to vector<1152x512xf32>
    %add3A_435 = vector.broadcast %get3A_431 : vector<1x512xf32> to vector<1152x512xf32>
    %add3A_436 = arith.addf %add3A_434, %add3A_435 : vector<1152x512xf32>
    %add3A_437 = arith.addf %add3A_436, %dot_general3A_433 : vector<1152x512xf32>
    %reduce_min3A_438 = arith.constant dense<0x7F800000> : vector<1152xf32>
    %reduce_min3A_439 = vector.multi_reduction <minimumf>, %add3A_437, %reduce_min3A_438 [1] : vector<1152x512xf32> to vector<1152xf32>
    %broadcast_in_dim3A_440 = vector.shape_cast %reduce_min3A_439 : vector<1152xf32> to vector<1152x1xf32>
    %eq3A_441 = vector.broadcast %broadcast_in_dim3A_440 : vector<1152x1xf32> to vector<1152x512xf32>
    %eq3A_442 = arith.cmpf oeq, %add3A_437, %eq3A_441 : vector<1152x512xf32>
    %jit3A_443 = arith.constant 1.000000e+09 : f32
    %broadcast_in_dim3A_444 = vector.broadcast %jit3A_443 : f32 to vector<1152x512xf32>
    %select_n3A_445 = arith.select %eq3A_442, %convert_element_type3A_8, %broadcast_in_dim3A_444 : vector<1152x512xi1>, vector<1152x512xf32>
    %reduce_min3A_446 = arith.constant dense<0x7F800000> : vector<1152xf32>
    %reduce_min3A_447 = vector.multi_reduction <minimumf>, %select_n3A_445, %reduce_min3A_446 [1] : vector<1152x512xf32> to vector<1152xf32>
    %add3A_448 = arith.constant 7.680000e+03 : f32
    %add3A_449 = vector.broadcast %add3A_448 : f32 to vector<1152xf32>
    %add3A_450 = arith.addf %reduce_min3A_447, %add3A_449 : vector<1152xf32>
    %lt3A_451 = arith.cmpf olt, %reduce_min3A_439, %min3A_425 : vector<1152xf32>
    %select_n3A_452 = arith.select %lt3A_451, %add3A_450, %select_n3A_424 : vector<1152xi1>, vector<1152xf32>
    %convert_element_type3A_453 = arith.fptosi %select_n3A_452 : vector<1152xf32> to vector<1152xi32>
    %swap3A = arith.constant 0 : index
    %swap3A_454 = arith.constant 0 : index
    %swap3A_455 = arith.constant 0 : index
    %swap3A_456 = vector.load %arg7[%swap3A, %swap3A_454, %swap3A_455] : memref<1x1x1152xi32, #tpu.memory_space<vmem>>, vector<1x1x1152xi32>
    %swap3A_457 = vector.shape_cast %swap3A_456 : vector<1x1x1152xi32> to vector<1152xi32>
    %swap3A_458 = vector.shape_cast %convert_element_type3A_453 : vector<1152xi32> to vector<1x1x1152xi32>
    tpu.vector_store %arg7[%swap3A, %swap3A_454, %swap3A_455], %swap3A_458 {strides = array<i32>} : memref<1x1x1152xi32, #tpu.memory_space<vmem>>, vector<1x1x1152xi32>,
    return
  }
  func.func @transform_0(%arg0: i32) -> (i32, i32) {
    %c0_i32 = arith.constant 0 : i32
    %c0_i32_0 = arith.constant 0 : i32
    %c0_i32_1 = arith.constant 0 : i32
    return %c0_i32, %c0_i32_0 : i32, i32
  }
  func.func @transform_1(%arg0: i32) -> (i32, i32) {
    %c0_i32 = arith.constant 0 : i32
    %c0_i32_0 = arith.constant 0 : i32
    %c0_i32_1 = arith.constant 0 : i32
    return %c0_i32, %c0_i32_0 : i32, i32
  }
  func.func @transform_2(%arg0: i32) -> (i32, i32) {
    %c0_i32 = arith.constant 0 : i32
    %c0_i32_0 = arith.constant 0 : i32
    %c0_i32_1 = arith.constant 0 : i32
    return %c0_i32, %c0_i32_0 : i32, i32
  }
  func.func @transform_3(%arg0: i32) -> (i32, i32) {
    %c0_i32 = arith.constant 0 : i32
    %c0_i32_0 = arith.constant 0 : i32
    return %arg0, %c0_i32 : i32, i32
  }
  func.func @transform_4(%arg0: i32) -> (i32, i32) {
    %c0_i32 = arith.constant 0 : i32
    %c0_i32_0 = arith.constant 0 : i32
    %c0_i32_1 = arith.constant 0 : i32
    return %c0_i32, %c0_i32_0 : i32, i32
  }
  func.func @transform_5(%arg0: i32) -> (i32, i32) {
    %c0_i32 = arith.constant 0 : i32
    %c0_i32_0 = arith.constant 0 : i32
    %c0_i32_1 = arith.constant 0 : i32
    return %c0_i32, %c0_i32_0 : i32, i32
  }
  func.func @transform_6(%arg0: i32) -> (i32, i32, i32) {
    %c0_i32 = arith.constant 0 : i32
    %c0_i32_0 = arith.constant 0 : i32
    %c0_i32_1 = arith.constant 0 : i32
    return %arg0, %c0_i32, %c0_i32_0 : i32, i32, i32
  }
}

</mosaic_0001>

<sc_bundles>
// kernel: kernel.4.cloned.1.call-start
scs
__scs_entry_jumppad:
0x0: {  	(pc) =	sbr.rel $0x88, $3  }
0x1: {  	(tag) =	ssettag $0x0;
	lr =	simm.s32 $0x1  }
0x2: {  	[smem:$0x3F9D] =	sst lr;
	_ =	strace $0xD0000000  }
0x3: {  	_ = 	snop  }
0x4: {  	_ = 	snop  }
0x5: {  	_ = 	snop  }
0x6: {  	_ = 	snop  }
0x7: {  	_ = 	snop  }
__scs_overlays_trampoline_lowered:
0x8: {  	[smem:$0x3FAC] =	sst s0  }
0x9: {  	[smem:$0x3FAD] =	sst s1  }
0xa: {  	[smem:$0x3FAE] =	sst s2  }
0xb: {  	[smem:$0x3FAF] =	sst s3  }
0xc: {  	[smem:$0x3FB0] =	sst s4  }
0xd: {  	[smem:$0x3FB1] =	sst s5  }
0xe: {  	[smem:$0x3FB2] =	sst s6  }
0xf: {  	[smem:$0x3FB3] =	sst s7  }
0x10: {  	[smem:$0x3FB4] =	sst s8  }
0x11: {  	[smem:$0x3FB5] =	sst s9;
	s0 =	simm.s32 @!p0 $0x0  }
0x12: {  	s1 =	sld [smem:$0x3F9B];
	s0 =	simm.s32 @p0 $0x1  }
0x13: {  	[smem:$0x3FB6] =	sst s0;
	s0 =	simm.s32 @!p1 $0x0  }
0x14: {  	s2 =	sld [smem:$0x3F9A];
	s0 =	simm.s32 @p1 $0x1  }
0x15: {  	[smem:$0x3FB7] =	sst s0;
	s0 =	simm.s32 @!p2 $0x0  }
0x16: {  	s3 =	sld [smem:$0x3FDB];
	s0 =	simm.s32 @p2 $0x1  }
0x17: {  	s4 =	simm.s32 $0x1BF5;
	[smem:$0x3FB9] =	sst s0  }
0x18: {  	s0 =	sld [smem:$0x3F9C];
	_ =	swait.ge [sflag:s4], $0x0  }
0x19: {  	s7 =	sld [smem:$0x3F9D]  }
0x1a: {  	s8 =	sadd.s32 $0xFFFFE003, lr  }
0x1b: {  	s9 =	sadd.s32 $0xFFFFFEF7, lr;
	s5 =	simm.s32 $0xFFFFFFFF;
	p2 =	slt.u32 s8, $0xFFFFF086  }
0x1c: {  	p1 =	slt.u32 s9, $0xF7A;
	s5 =	simm.s32 @!p2 $0x0  }
0x1d: {  	s5 =	simm.s32 @p1 $0x1;
	p0 =	seq.s32 s7, s2  }
0x1e: {  	s7 =	smul.u32 @!p0 $0xF7A, s2;
	p2 =	seq.s32 @!p0 s5, $0x0  }
0x1f: {  	s9 =	smul.u32 $0xF7A, s1;
	s8 =	simm.s32 @!p0 $0x1BF5;
	p2 =	por !p2, p0  }
0x20: {  	[sflag:s8] =	ssyncset.s32 @!p0 $0xFFFFF086;
	s6 =	sadd.s32 @!p0 s3, s7;
	s7 =	simm.s32 @!p0 $0x108  }
0x21: {  	s3 =	sadd.s32 s3, s9;
	s6 =	sadd.s32 @!p0 $0x88, s6;
	s7 =	simm.s32 @p2 $0x1082  }
0x22: {  	[simem:s7], [sflag:s8] =	dma.local @!p0 [hbm:s6], $0xF7A  }
0x23: {  	s9 =	sor.u32 $0xD0000000, s2;
	s6 =	simm.s32 $0x108;
	_ =	swait.ge @!p0 [sflag:s8], $0x0  }
0x24: {  	s3 =	sadd.s32 $0x88, s3;
	s6 =	simm.s32 @!p1 $0x1082;
	[sflag:s4] =	ssyncset.s32 $0xFFFFF086  }
0x25: {  	[simem:s6], [sflag:s4] =	dma.local [hbm:s3], $0xF7A  }
0x26: {  	[smem:$0x3F9D] =	sst s1;
	(tag) =	ssettag s2;
	_ =	strace s9  }
0x27: {  	s1 =	sld [smem:$0x3FAD]  }
0x28: {  	s2 =	sld [smem:$0x3FAE]  }
0x29: {  	s4 =	sld [smem:$0x3FB0]  }
0x2a: {  	p0 =	seq.s32 s5, $0x0;
	s5 =	sld [smem:$0x3FB1]  }
0x2b: {  	s6 =	sld [smem:$0x3FB2]  }
0x2c: {  	s7 =	sld [smem:$0x3FB3]  }
0x2d: {  	s3 =	simm.s32 $0x108;
	s8 =	sld [smem:$0x3FB4]  }
0x2e: {  	s3 =	simm.s32 @!p0 $0x1082;
	s9 =	sld [smem:$0x3FB5]  }
0x2f: {  	lr =	sadd.s32 s0, s3;
	s0 =	sld [smem:$0x3FAC]  }
0x30: {  	s3 =	sld [smem:$0x3FAF]  }
0x31: {  	[smem:$0x3FB8] =	sst s10  }
0x32: {  	s10 =	sld [smem:$0x3FB6];
	_ =	sdelay $0x3  }
0x33: {  	p0 =	seq.s32 s10, $0x1;
	s10 =	sld [smem:$0x3FB8];
	_ =	sdelay $0x3  }
0x34: {  	[smem:$0x3FB8] =	sst s10  }
0x35: {  	s10 =	sld [smem:$0x3FB7];
	_ =	sdelay $0x3  }
0x36: {  	p1 =	seq.s32 s10, $0x1;
	s10 =	sld [smem:$0x3FB8];
	_ =	sdelay $0x3  }
0x37: {  	[smem:$0x3FB8] =	sst s10  }
0x38: {  	s10 =	sld [smem:$0x3FB9]  }
0x39: {  	_ = 	snop;
	(pc) =	sbr.ind lr, $3  }
0x3a: {  	_ = 	snop  }
0x3b: {  	_ = 	snop  }
0x3c: {  	p2 =	seq.s32 s10, $0x1;
	s10 =	sld [smem:$0x3FB8]  }
0x3d: {  	_ =	shalt  }
0x3e: {  	_ =	shalt  }
0x3f: {  	_ =	shalt  }
0x40: {  	_ =	shalt  }
0x41: {  	_ =	shalt  }
0x42: {  	_ =	shalt  }
0x43: {  	_ =	shalt  }
0x44: {  	_ =	shalt  }
0x45: {  	_ =	shalt  }
0x46: {  	_ =	shalt  }
0x47: {  	_ =	shalt  }
0x48: {  	_ =	shalt  }
0x49: {  	_ =	shalt  }
0x4a: {  	_ =	shalt  }
0x4b: {  	_ =	shalt  }
0x4c: {  	_ =	shalt  }
0x4d: {  	_ =	shalt  }
0x4e: {  	_ =	shalt  }
0x4f: {  	_ =	shalt  }
0x50: {  	_ =	shalt  }
0x51: {  	_ =	shalt  }
0x52: {  	_ =	shalt  }
0x53: {  	_ =	shalt  }
0x54: {  	_ =	shalt  }
0x55: {  	_ =	shalt  }
0x56: {  	_ =	shalt  }
0x57: {  	_ =	shalt  }
0x58: {  	_ =	shalt  }
0x59: {  	_ =	shalt  }
0x5a: {  	_ =	shalt  }
0x5b: {  	_ =	shalt  }
0x5c: {  	_ =	shalt  }
0x5d: {  	_ =	shalt  }
0x5e: {  	_ =	shalt  }
0x5f: {  	_ =	shalt  }
0x60: {  	_ =	shalt  }
0x61: {  	_ =	shalt  }
0x62: {  	_ =	shalt  }
0x63: {  	_ =	shalt  }
0x64: {  	_ =	shalt  }
0x65: {  	_ =	shalt  }
0x66: {  	_ =	shalt  }
0x67: {  	_ =	shalt  }
0x68: {  	_ =	shalt  }
0x69: {  	_ =	shalt  }
0x6a: {  	_ =	shalt  }
0x6b: {  	_ =	shalt  }
0x6c: {  	_ =	shalt  }
0x6d: {  	_ =	shalt  }
0x6e: {  	_ =	shalt  }
0x6f: {  	_ =	shalt  }
0x70: {  	_ =	shalt  }
0x71: {  	_ =	shalt  }
0x72: {  	_ =	shalt  }
0x73: {  	_ =	shalt  }
0x74: {  	_ =	shalt  }
0x75: {  	_ =	shalt  }
0x76: {  	_ =	shalt  }
0x77: {  	_ =	shalt  }
0x78: {  	_ =	shalt  }
0x79: {  	_ =	shalt  }
0x7a: {  	_ =	shalt  }
0x7b: {  	_ =	shalt  }
0x7c: {  	_ =	shalt  }
0x7d: {  	_ =	shalt  }
0x7e: {  	_ =	shalt  }
0x7f: {  	_ =	shalt  }
0x80: {  	_ =	shalt  }
0x81: {  	_ =	shalt  }
0x82: {  	_ =	shalt  }
0x83: {  	_ =	shalt  }
0x84: {  	_ =	shalt  }
0x85: {  	_ =	shalt  }
0x86: {  	_ =	shalt  }
0x87: {  	_ =	shalt  }
.Lfunc_end0:
.L_simem_size_0:
called_computation_lowered:
.L_overlay_start_0:
0x88: {  	s2 =	sld [smem:$0x3FD9]  }
0x89: {  	s3 =	sld [smem:$0x3FFE];
	_ =	sdelay $0x1  }
0x8a: {  	s1 =	srdreg.scid  }
0x8b: {  	s0 =	sand.u32 $0x1, s1  }
0x8c: {  	s15 =	sshll.u32 s0, $0xA;
	s2 =	sadd.s32 s3, s2  }
0x8d: {  	s2 =	sadd.s32 s2, s15  }
0x8e: {  	[smem:$0x3FC4] =	sst s2  }
0x8f: {  	_ = 	snop  }
0x90: {  	s2 =	sld [smem:$0x3FD0];
	_ =	sdelay $0x2  }
0x91: {  	s16 =	simm.s32 $0xA;
	s4 =	simm.s32 $0x10  }
0x92: {  	[smem:s4], [sflag:s16] =	dma.local [hbm:s2], $0x1  }
0x93: {  	_ =	swait.eq [sflag:s16], $0x1  }
0x94: {  	s17 =	sld [smem:$0x10];
	[sflag:s16] =	ssyncset.done $0x0  }
0x95: {  	s18 =	sld [smem:$0x11];
	[sflag:s16] =	ssyncadd.s32 $0xFFFFFFFF  }
0x96: {  	s19 =	sld [smem:$0x12];
	(tm) =	ssettm $0x1  }
0x97: {  	s5 =	sld [smem:$0x3FFB];
	_ =	sdelay $0x3  }
0x98: {  	_ =	strace s5  }
0x99: {  	s5 =	sld [smem:$0x3FFC];
	_ =	sdelay $0x3  }
0x9a: {  	_ =	strace s5  }
0x9b: {  	s5 =	sld [smem:$0x3FFD];
	_ =	sdelay $0x3  }
0x9c: {  	_ =	strace s5  }
0x9d: {  	_ =	strace $0x8FFFFFFF  }
0x9e: {  	s20 =	sld [smem:$0x3FDB];
	_ =	sdelay $0x1  }
0x9f: {  	s6 =	simm.s32 $_scs_section_size  }
0xa0: {  	s7 =	simm.s32 $_size__tile_overlayer_lowered;
	s8 =	simm.s32 $_tile_overlayer_lowered  }
0xa1: {  	s23 =	simm.s32 $0x1BFF;
	s22 =	sshll.u32 s8, $0x1;
	s5 =	sadd.s32 s6, s20  }
0xa2: {  	s9 =	simm.s32 $0x0;
	s21 =	sshll.u32 s7, $0x1;
	s7 =	sadd.s32 s22, s5  }
0xa3: {  	[timem:s9], [sflag:s23] =	dma.local [hbm:s7], s21  }
0xa4: {  	_ =	swait.ge [sflag:s23], s21  }
0xa5: {  	s6 =	ssub.s32 $0x0, s21;
	[sflag:s23] =	ssyncset.done $0x0  }
0xa6: {  	[sflag:s23] =	ssyncadd.s32 s6;
	_ =	sdelay $0x1  }
0xa7: {  	s24 =	simm.s32 $0x1B8B  }
0xa8: {  	_ =	swait.ge [sflag:s24], $0x1  }
0xa9: {  	[sflag:s24] =	ssyncset.done $0x0  }
0xaa: {  	s25 =	simm.s32 $0x1B8E;
	[sflag:s24] =	ssyncadd.s32 $0xFFFFFFFF  }
0xab: {  	s26 =	simm.s32 $execute0_lowered;
	[smem:$0x3FD2] =	sst s25  }
0xac: {  	s6 =	sshll.u32 s26, $0x1;
	_ =	strace $0x80000046;
	[dreg:$0x1] =	wrdreg $0xFFFFFFFF  }
0xad: {  	s28 =	simm.s32 $_size_execute0_lowered;
	s5 =	sadd.s32 s5, s6;
	[dreg:$0x0] =	wrdreg $0x0  }
0xae: {  	s6 =	sshll.u32 s28, $0x1;
	[dreg:$0x2] =	wrdreg s5  }
0xaf: {  	[dreg:$0x3] =	wrdreg s6  }
0xb0: {  	[dreg:$0x4] =	wrdreg $0xC0  }
0xb1: {  	_ =	task [dreg:s9], $0x5FFFF  }
0xb2: {  	[dreg:$0x1] =	wrdreg $0xFFFFFFFF  }
0xb3: {  	[dreg:$0x0] =	wrdreg $0x60  }
0xb4: {  	[dreg:$0x2] =	wrdreg s18  }
0xb5: {  	[dreg:$0x3] =	wrdreg s17  }
0xb6: {  	[dreg:$0x4] =	wrdreg s19  }
0xb7: {  	[dreg:$0x5] =	wrdreg $0x9  }
0xb8: {  	_ =	task.clear_ibuf [dreg:s9], $0x6FFFF;
	_ =	strace $0x90000046  }
0xb9: {  	s29 =	simm.s32 $0x9;
	_ =	strace $0x80000048  }
0xba: {  	_ =	swait.ge [sflag:s29], $0x1  }
0xbb: {  	[sflag:s29] =	ssyncadd.s32 $0xFFFFFFFF  }
0xbc: {  	_ =	strace $0x90000048  }
0xbd: {  	_ =	sfence  }
0xbe: {  	s30 =	sld [smem:$0x0];
	_ =	sdelay $0x2  }
0xbf: {  	s31 =	sshll.u32 s1, $0xD;
	s1 =	sshrl.u32 s1, $0x2  }
0xc0: {  	s3 =	sand.u32 $0x4000, s31;
	s1 =	sadd.s32 s1, s30  }
0xc1: {  	s0 =	sor.u32 s3, s0;
	s1 =	sshll.u32 s1, $0x11  }
0xc2: {  	s0 =	sor.u32 s1, s0  }
0xc3: {  	s0 =	sadd.s32 $0x8F2B, s0  }
0xc4: {  	[sflag:s0] =	ssyncadd.remote.s32 $0x1  }
0xc5: {  	_ =	sfence.sel $0xFFFF  }
0xc6: {  	[dreg:$0x0] =	wrdreg $0xFFFFFFFF;
	(pc) =	sbr.abs _section_cstart, $3  }
0xc7: {  	[dreg:$0x1] =	wrdreg $0xFFFFFFFF  }
0xc8: {  	_ =	task.clear_ibuf [dreg:s9], $0x2FFFF;
	_ =	strace $0x9FFFFFFF  }
0xc9: {  	(tm) =	ssettm $0x7FFFFFFF  }
tec
execute0_lowered:
.L_overlay_start_1:
0x0: {  	(tag) =	ssettag $0x1  }
0x1: {  	s1 =	rddreg [dreg:$0x0]  }
0x2: {  	s2 =	srdreg.scid;
	s4 =	rddreg [dreg:$0x1]  }
0x3: {  	s0 =	stileid.u32;
	s5 =	rddreg [dreg:$0x2];
	s15 =	simm.s32 $0x980  }
0x4: {  	s16 =	simm.s32 $0x1180;
	s2 =	sand.u32 $0x1, s2;
	s3 =	sshll.u32 s0, $0x1  }
0x5: {  	s17 =	simm.s32 $0x1980;
	s6 =	sor.u32 s2, s3;
	s3 =	simm.s32 $0x0  }
0x6: {  	s18 =	simm.s32 $0x2180;
	s19 =	simm.s32 $0x2980;
	[smem:$0x7FF] =	sst s3  }
0x7: {  	s20 =	simm.s32 $0x3180;
	_ =	strace $0x80000047;
	[dreg:$0x6] =	wrdreg s15  }
0x8: {  	s21 =	simm.s32 $0x3980;
	s23 =	simm.s32 $0x4180;
	[dreg:$0x7] =	wrdreg s16  }
0x9: {  	s24 =	simm.s32 $0x4980;
	s25 =	simm.s32 $0x5180;
	[dreg:$0x8] =	wrdreg s17  }
0xa: {  	s26 =	simm.s32 $0x5980;
	s8 =	simm.s32 $0x6980;
	[dreg:$0x9] =	wrdreg s18  }
0xb: {  	s9 =	simm.s32 $0x7180;
	s10 =	simm.s32 $0x7980;
	[dreg:$0xa] =	wrdreg s19  }
0xc: {  	s11 =	simm.s32 $0x8180;
	s12 =	simm.s32 $0x8980;
	[dreg:$0xb] =	wrdreg s20  }
0xd: {  	s13 =	simm.s32 $0x9180;
	s28 =	simm.s32 $0x10180;
	[dreg:$0xc] =	wrdreg s21  }
0xe: {  	s29 =	simm.s32 $0x10980;
	s30 =	simm.s32 $0x11180;
	[dreg:$0xd] =	wrdreg s23  }
0xf: {  	s31 =	simm.s32 $0x11980;
	s2 =	ssub.s32 $0x2, s2;
	[dreg:$0xe] =	wrdreg s24  }
0x10: {  	s7 =	smul.u32 $0x24, s6;
	s22 =	sshrl.u32 s2, $0x1;
	[dreg:$0xf] =	wrdreg s25  }
0x11: {  	s6 =	smul.u32 $0x2400, s6;
	s2 =	ssub.s32 s2, s22;
	[dreg:$0x10] =	wrdreg s26  }
0x12: {  	s15 =	simm.s32 $0xA180;
	s16 =	simm.s32 $0xA980;
	s17 =	simm.s32 $0xB180  }
0x13: {  	s18 =	simm.s32 $0xB980;
	s19 =	simm.s32 $0xC180;
	s20 =	simm.s32 $0xC980  }
0x14: {  	s21 =	simm.s32 $0xD180;
	s22 =	simm.s32 $0xD980;
	s23 =	simm.s32 $0xE180  }
0x15: {  	s24 =	simm.s32 $0xE980;
	s25 =	simm.s32 $0xF180;
	s4 =	sadd.s32 s4, s7  }
0x16: {  	v2 =	vlaneseq.u32;
	s26 =	simm.s32 $0xF980;
	s14 =	sadd.s32 s5, s6;
	[dreg:$0x4] =	wrdreg s4  }
0x17: {  	vm0 =	vmmov $0xffff;
	v1 =	vshrl.u32 v2, $0x3;
	s5 =	simm.s32 $0x2;
	s6 =	simm.s32 $0x180;
	[dreg:$0x5] =	wrdreg s14  }
0x18: {  	v0 =	vand.u32 $0x7, v2;
	v2 =	vor.u32 $0x8, v2;
	v1 =	vmul.u32 $0x8, v1;
	s4 =	smax.u32 s2, $0x1;
	s14 =	simm.s32 $0x9980;
	s2 =	simm.s32 $0x1  }
.LBB2_1:
0x19: {  	s0 =	rddreg [dreg:$0x4]  }
0x1a: {  	[tilespmem:s3], [sflag:$0x2] =	stream.linear.gather [hbm4b:s0+s3], $0x120, $0x38;
	[tilespmem:$0x12180] =	vst v63  }
0x1b: {  	_ =	swait.ge [sflag:s5], $0x120  }
0x1c: {  	[sflag:s5] =	ssyncset.done $0x0  }
0x1d: {  	[sflag:s5] =	ssyncadd.s32 $0xFFFFFEE0  }
0x1e: {  	v3 =	vld [tilespmem:$0x0];
	_ =	sdelay $0x4  }
0x1f: {  	v4 =	vshll.u32 v3, $0x1  }
0x20: {  	v3 =	vand.u32 $0x7, v3;
	v4 =	vand.u32 $0xFFFFFFF0, v4  }
0x21: {  	v3 =	vor.u32 v3, v4  }
0x22: {  	v4 =	vperm.xlane v3, v0;
	_ =	sdelay $0x1  }
0x23: {  	v3 =	vperm.xlane v3, v2;
	v4 =	vadd.s32 v1, v4;
	_ =	sdelay $0x1  }
0x24: {  	v3 =	vadd.s32 v1, v3;
	_ =	sdelay $0x2  }
0x25: {  	[tilespmem:s6], [sflag:$0x1] =	stream.indirect_vreg.gather [hbm4b:s1+s3], $0x80, v4, vm0, $0xb8;
	[tilespmem:$0x12180] =	vst v63  }
0x26: {  	s7 =	rddreg [dreg:$0x6]  }
0x27: {  	[tilespmem:s7], [sflag:$0x1] =	stream.indirect_vreg.gather [hbm4b:s1+s3], $0x80, v3, vm0, $0xb8;
	[tilespmem:$0x12180] =	vst v63  }
0x28: {  	v3 =	vld [tilespmem:$0x10];
	_ =	sdelay $0x4  }
0x29: {  	v47 =	vshll.u32 v3, $0x1  }
0x2a: {  	v3 =	vand.u32 $0x7, v3;
	v4 =	vand.u32 $0xFFFFFFF0, v47  }
0x2b: {  	v3 =	vor.u32 v3, v4  }
0x2c: {  	v4 =	vperm.xlane v3, v0;
	_ =	sdelay $0x1  }
0x2d: {  	v3 =	vperm.xlane v3, v2;
	v4 =	vadd.s32 v1, v4;
	_ =	sdelay $0x1  }
0x2e: {  	v3 =	vadd.s32 v1, v3;
	_ =	sdelay $0x1  }
0x2f: {  	s0 =	rddreg [dreg:$0x7]  }
0x30: {  	[tilespmem:s0], [sflag:$0x1] =	stream.indirect_vreg.gather [hbm4b:s1+s3], $0x80, v4, vm0, $0xb8;
	[tilespmem:$0x12180] =	vst v63  }
0x31: {  	s7 =	rddreg [dreg:$0x8]  }
0x32: {  	[tilespmem:s7], [sflag:$0x1] =	stream.indirect_vreg.gather [hbm4b:s1+s3], $0x80, v3, vm0, $0xb8;
	[tilespmem:$0x12180] =	vst v63  }
0x33: {  	v3 =	vld [tilespmem:$0x20];
	_ =	sdelay $0x4  }
0x34: {  	v48 =	vshll.u32 v3, $0x1  }
0x35: {  	v3 =	vand.u32 $0x7, v3;
	v4 =	vand.u32 $0xFFFFFFF0, v48  }
0x36: {  	v3 =	vor.u32 v3, v4  }
0x37: {  	v4 =	vperm.xlane v3, v0;
	_ =	sdelay $0x1  }
0x38: {  	v3 =	vperm.xlane v3, v2;
	v4 =	vadd.s32 v1, v4;
	_ =	sdelay $0x1  }
0x39: {  	v3 =	vadd.s32 v1, v3;
	_ =	sdelay $0x1  }
0x3a: {  	s0 =	rddreg [dreg:$0x9]  }
0x3b: {  	[tilespmem:s0], [sflag:$0x1] =	stream.indirect_vreg.gather [hbm4b:s1+s3], $0x80, v4, vm0, $0xb8;
	[tilespmem:$0x12180] =	vst v63  }
0x3c: {  	s7 =	rddreg [dreg:$0xa]  }
0x3d: {  	[tilespmem:s7], [sflag:$0x1] =	stream.indirect_vreg.gather [hbm4b:s1+s3], $0x80, v3, vm0, $0xb8;
	[tilespmem:$0x12180] =	vst v63  }
0x3e: {  	v3 =	vld [tilespmem:$0x30];
	_ =	sdelay $0x4  }
0x3f: {  	v49 =	vshll.u32 v3, $0x1  }
0x40: {  	v3 =	vand.u32 $0x7, v3;
	v4 =	vand.u32 $0xFFFFFFF0, v49  }
0x41: {  	v3 =	vor.u32 v3, v4  }
0x42: {  	v4 =	vperm.xlane v3, v0;
	_ =	sdelay $0x1  }
0x43: {  	v3 =	vperm.xlane v3, v2;
	v4 =	vadd.s32 v1, v4;
	_ =	sdelay $0x1  }
0x44: {  	v3 =	vadd.s32 v1, v3;
	_ =	sdelay $0x1  }
0x45: {  	s0 =	rddreg [dreg:$0xb]  }
0x46: {  	[tilespmem:s0], [sflag:$0x1] =	stream.indirect_vreg.gather [hbm4b:s1+s3], $0x80, v4, vm0, $0xb8;
	[tilespmem:$0x12180] =	vst v63  }
0x47: {  	s7 =	rddreg [dreg:$0xc]  }
0x48: {  	[tilespmem:s7], [sflag:$0x1] =	stream.indirect_vreg.gather [hbm4b:s1+s3], $0x80, v3, vm0, $0xb8;
	[tilespmem:$0x12180] =	vst v63  }
0x49: {  	v3 =	vld [tilespmem:$0x40];
	_ =	sdelay $0x4  }
0x4a: {  	v50 =	vshll.u32 v3, $0x1  }
0x4b: {  	v3 =	vand.u32 $0x7, v3;
	v4 =	vand.u32 $0xFFFFFFF0, v50  }
0x4c: {  	v3 =	vor.u32 v3, v4  }
0x4d: {  	v4 =	vperm.xlane v3, v0;
	_ =	sdelay $0x1  }
0x4e: {  	v3 =	vperm.xlane v3, v2;
	v4 =	vadd.s32 v1, v4;
	_ =	sdelay $0x1  }
0x4f: {  	v3 =	vadd.s32 v1, v3;
	_ =	sdelay $0x1  }
0x50: {  	s0 =	rddreg [dreg:$0xd]  }
0x51: {  	[tilespmem:s0], [sflag:$0x1] =	stream.indirect_vreg.gather [hbm4b:s1+s3], $0x80, v4, vm0, $0xb8;
	[tilespmem:$0x12180] =	vst v63  }
0x52: {  	s7 =	rddreg [dreg:$0xe]  }
0x53: {  	[tilespmem:s7], [sflag:$0x1] =	stream.indirect_vreg.gather [hbm4b:s1+s3], $0x80, v3, vm0, $0xb8;
	[tilespmem:$0x12180] =	vst v63  }
0x54: {  	v3 =	vld [tilespmem:$0x50];
	_ =	sdelay $0x4  }
0x55: {  	v51 =	vshll.u32 v3, $0x1  }
0x56: {  	v3 =	vand.u32 $0x7, v3;
	v4 =	vand.u32 $0xFFFFFFF0, v51  }
0x57: {  	v3 =	vor.u32 v3, v4  }
0x58: {  	v4 =	vperm.xlane v3, v0;
	_ =	sdelay $0x1  }
0x59: {  	v3 =	vperm.xlane v3, v2;
	v4 =	vadd.s32 v1, v4;
	_ =	sdelay $0x1  }
0x5a: {  	v3 =	vadd.s32 v1, v3;
	_ =	sdelay $0x1  }
0x5b: {  	s0 =	rddreg [dreg:$0xf]  }
0x5c: {  	[tilespmem:s0], [sflag:$0x1] =	stream.indirect_vreg.gather [hbm4b:s1+s3], $0x80, v4, vm0, $0xb8;
	[tilespmem:$0x12180] =	vst v63  }
0x5d: {  	s7 =	rddreg [dreg:$0x10]  }
0x5e: {  	[tilespmem:s7], [sflag:$0x1] =	stream.indirect_vreg.gather [hbm4b:s1+s3], $0x80, v3, vm0, $0xb8;
	[tilespmem:$0x12180] =	vst v63  }
0x5f: {  	v3 =	vld [tilespmem:$0x60];
	_ =	sdelay $0x4  }
0x60: {  	v52 =	vshll.u32 v3, $0x1  }
0x61: {  	v3 =	vand.u32 $0x7, v3;
	v4 =	vand.u32 $0xFFFFFFF0, v52  }
0x62: {  	v3 =	vor.u32 v3, v4  }
0x63: {  	v4 =	vperm.xlane v3, v0;
	_ =	sdelay $0x1  }
0x64: {  	v3 =	vperm.xlane v3, v2;
	v4 =	vadd.s32 v1, v4;
	_ =	sdelay $0x1  }
0x65: {  	v3 =	vadd.s32 v1, v3;
	_ =	sdelay $0x1  }
0x66: {  	s7 =	simm.s32 $0x6180  }
0x67: {  	[tilespmem:s7], [sflag:$0x1] =	stream.indirect_vreg.gather [hbm4b:s1+s3], $0x80, v4, vm0, $0xb8;
	[tilespmem:$0x12180] =	vst v63  }
0x68: {  	_ = 	snop  }
0x69: {  	[tilespmem:s8], [sflag:$0x1] =	stream.indirect_vreg.gather [hbm4b:s1+s3], $0x80, v3, vm0, $0xb8;
	[tilespmem:$0x12180] =	vst v63  }
0x6a: {  	v3 =	vld [tilespmem:$0x70];
	_ =	sdelay $0x4  }
0x6b: {  	v53 =	vshll.u32 v3, $0x1  }
0x6c: {  	v3 =	vand.u32 $0x7, v3;
	v4 =	vand.u32 $0xFFFFFFF0, v53  }
0x6d: {  	v3 =	vor.u32 v3, v4  }
0x6e: {  	v4 =	vperm.xlane v3, v0;
	_ =	sdelay $0x1  }
0x6f: {  	v3 =	vperm.xlane v3, v2;
	v4 =	vadd.s32 v1, v4;
	_ =	sdelay $0x1  }
0x70: {  	v3 =	vadd.s32 v1, v3;
	_ =	sdelay $0x2  }
0x71: {  	[tilespmem:s9], [sflag:$0x1] =	stream.indirect_vreg.gather [hbm4b:s1+s3], $0x80, v4, vm0, $0xb8;
	[tilespmem:$0x12180] =	vst v63  }
0x72: {  	_ = 	snop  }
0x73: {  	[tilespmem:s10], [sflag:$0x1] =	stream.indirect_vreg.gather [hbm4b:s1+s3], $0x80, v3, vm0, $0xb8;
	[tilespmem:$0x12180] =	vst v63  }
0x74: {  	v3 =	vld [tilespmem:$0x80];
	_ =	sdelay $0x4  }
0x75: {  	v54 =	vshll.u32 v3, $0x1  }
0x76: {  	v3 =	vand.u32 $0x7, v3;
	v4 =	vand.u32 $0xFFFFFFF0, v54  }
0x77: {  	v3 =	vor.u32 v3, v4  }
0x78: {  	v4 =	vperm.xlane v3, v0;
	_ =	sdelay $0x1  }
0x79: {  	v3 =	vperm.xlane v3, v2;
	v4 =	vadd.s32 v1, v4;
	_ =	sdelay $0x1  }
0x7a: {  	v3 =	vadd.s32 v1, v3;
	_ =	sdelay $0x2  }
0x7b: {  	[tilespmem:s11], [sflag:$0x1] =	stream.indirect_vreg.gather [hbm4b:s1+s3], $0x80, v4, vm0, $0xb8;
	[tilespmem:$0x12180] =	vst v63  }
0x7c: {  	_ = 	snop  }
0x7d: {  	[tilespmem:s12], [sflag:$0x1] =	stream.indirect_vreg.gather [hbm4b:s1+s3], $0x80, v3, vm0, $0xb8;
	[tilespmem:$0x12180] =	vst v63  }
0x7e: {  	v3 =	vld [tilespmem:$0x90];
	_ =	sdelay $0x4  }
0x7f: {  	v55 =	vshll.u32 v3, $0x1  }
0x80: {  	v3 =	vand.u32 $0x7, v3;
	v4 =	vand.u32 $0xFFFFFFF0, v55  }
0x81: {  	v3 =	vor.u32 v3, v4  }
0x82: {  	v4 =	vperm.xlane v3, v0;
	_ =	sdelay $0x1  }
0x83: {  	v3 =	vperm.xlane v3, v2;
	v4 =	vadd.s32 v1, v4;
	_ =	sdelay $0x1  }
0x84: {  	v3 =	vadd.s32 v1, v3;
	_ =	sdelay $0x2  }
0x85: {  	[tilespmem:s13], [sflag:$0x1] =	stream.indirect_vreg.gather [hbm4b:s1+s3], $0x80, v4, vm0, $0xb8;
	[tilespmem:$0x12180] =	vst v63  }
0x86: {  	_ = 	snop  }
0x87: {  	[tilespmem:s14], [sflag:$0x1] =	stream.indirect_vreg.gather [hbm4b:s1+s3], $0x80, v3, vm0, $0xb8;
	[tilespmem:$0x12180] =	vst v63  }
0x88: {  	v3 =	vld [tilespmem:$0xA0];
	_ =	sdelay $0x4  }
0x89: {  	v56 =	vshll.u32 v3, $0x1  }
0x8a: {  	v3 =	vand.u32 $0x7, v3;
	v4 =	vand.u32 $0xFFFFFFF0, v56  }
0x8b: {  	v3 =	vor.u32 v3, v4  }
0x8c: {  	v4 =	vperm.xlane v3, v0;
	_ =	sdelay $0x1  }
0x8d: {  	v3 =	vperm.xlane v3, v2;
	v4 =	vadd.s32 v1, v4;
	_ =	sdelay $0x1  }
0x8e: {  	v3 =	vadd.s32 v1, v3;
	_ =	sdelay $0x2  }
0x8f: {  	[tilespmem:s15], [sflag:$0x1] =	stream.indirect_vreg.gather [hbm4b:s1+s3], $0x80, v4, vm0, $0xb8;
	[tilespmem:$0x12180] =	vst v63  }
0x90: {  	_ = 	snop  }
0x91: {  	[tilespmem:s16], [sflag:$0x1] =	stream.indirect_vreg.gather [hbm4b:s1+s3], $0x80, v3, vm0, $0xb8;
	[tilespmem:$0x12180] =	vst v63  }
0x92: {  	v3 =	vld [tilespmem:$0xB0];
	_ =	sdelay $0x4  }
0x93: {  	v57 =	vshll.u32 v3, $0x1  }
0x94: {  	v3 =	vand.u32 $0x7, v3;
	v4 =	vand.u32 $0xFFFFFFF0, v57  }
0x95: {  	v3 =	vor.u32 v3, v4  }
0x96: {  	v4 =	vperm.xlane v3, v0;
	_ =	sdelay $0x1  }
0x97: {  	v3 =	vperm.xlane v3, v2;
	v4 =	vadd.s32 v1, v4;
	_ =	sdelay $0x1  }
0x98: {  	v3 =	vadd.s32 v1, v3;
	_ =	sdelay $0x2  }
0x99: {  	[tilespmem:s17], [sflag:$0x1] =	stream.indirect_vreg.gather [hbm4b:s1+s3], $0x80, v4, vm0, $0xb8;
	[tilespmem:$0x12180] =	vst v63  }
0x9a: {  	_ = 	snop  }
0x9b: {  	[tilespmem:s18], [sflag:$0x1] =	stream.indirect_vreg.gather [hbm4b:s1+s3], $0x80, v3, vm0, $0xb8;
	[tilespmem:$0x12180] =	vst v63  }
0x9c: {  	v3 =	vld [tilespmem:$0xC0];
	_ =	sdelay $0x4  }
0x9d: {  	v58 =	vshll.u32 v3, $0x1  }
0x9e: {  	v3 =	vand.u32 $0x7, v3;
	v4 =	vand.u32 $0xFFFFFFF0, v58  }
0x9f: {  	v3 =	vor.u32 v3, v4  }
0xa0: {  	v4 =	vperm.xlane v3, v0;
	_ =	sdelay $0x1  }
0xa1: {  	v3 =	vperm.xlane v3, v2;
	v4 =	vadd.s32 v1, v4;
	_ =	sdelay $0x1  }
0xa2: {  	v3 =	vadd.s32 v1, v3;
	_ =	sdelay $0x2  }
0xa3: {  	[tilespmem:s19], [sflag:$0x1] =	stream.indirect_vreg.gather [hbm4b:s1+s3], $0x80, v4, vm0, $0xb8;
	[tilespmem:$0x12180] =	vst v63  }
0xa4: {  	_ = 	snop  }
0xa5: {  	[tilespmem:s20], [sflag:$0x1] =	stream.indirect_vreg.gather [hbm4b:s1+s3], $0x80, v3, vm0, $0xb8;
	[tilespmem:$0x12180] =	vst v63  }
0xa6: {  	v3 =	vld [tilespmem:$0xD0];
	_ =	sdelay $0x4  }
0xa7: {  	v59 =	vshll.u32 v3, $0x1  }
0xa8: {  	v3 =	vand.u32 $0x7, v3;
	v4 =	vand.u32 $0xFFFFFFF0, v59  }
0xa9: {  	v3 =	vor.u32 v3, v4  }
0xaa: {  	v4 =	vperm.xlane v3, v0;
	_ =	sdelay $0x1  }
0xab: {  	v3 =	vperm.xlane v3, v2;
	v4 =	vadd.s32 v1, v4;
	_ =	sdelay $0x1  }
0xac: {  	v3 =	vadd.s32 v1, v3;
	_ =	sdelay $0x2  }
0xad: {  	[tilespmem:s21], [sflag:$0x1] =	stream.indirect_vreg.gather [hbm4b:s1+s3], $0x80, v4, vm0, $0xb8;
	[tilespmem:$0x12180] =	vst v63  }
0xae: {  	_ = 	snop  }
0xaf: {  	[tilespmem:s22], [sflag:$0x1] =	stream.indirect_vreg.gather [hbm4b:s1+s3], $0x80, v3, vm0, $0xb8;
	[tilespmem:$0x12180] =	vst v63  }
0xb0: {  	v3 =	vld [tilespmem:$0xE0];
	_ =	sdelay $0x4  }
0xb1: {  	v60 =	vshll.u32 v3, $0x1  }
0xb2: {  	v3 =	vand.u32 $0x7, v3;
	v4 =	vand.u32 $0xFFFFFFF0, v60  }
0xb3: {  	v3 =	vor.u32 v3, v4  }
0xb4: {  	v4 =	vperm.xlane v3, v0;
	_ =	sdelay $0x1  }
0xb5: {  	v3 =	vperm.xlane v3, v2;
	v4 =	vadd.s32 v1, v4;
	_ =	sdelay $0x1  }
0xb6: {  	v3 =	vadd.s32 v1, v3;
	_ =	sdelay $0x2  }
0xb7: {  	[tilespmem:s23], [sflag:$0x1] =	stream.indirect_vreg.gather [hbm4b:s1+s3], $0x80, v4, vm0, $0xb8;
	[tilespmem:$0x12180] =	vst v63  }
0xb8: {  	_ = 	snop  }
0xb9: {  	[tilespmem:s24], [sflag:$0x1] =	stream.indirect_vreg.gather [hbm4b:s1+s3], $0x80, v3, vm0, $0xb8;
	[tilespmem:$0x12180] =	vst v63  }
0xba: {  	v3 =	vld [tilespmem:$0xF0];
	_ =	sdelay $0x4  }
0xbb: {  	v61 =	vshll.u32 v3, $0x1  }
0xbc: {  	v3 =	vand.u32 $0x7, v3;
	v4 =	vand.u32 $0xFFFFFFF0, v61  }
0xbd: {  	v3 =	vor.u32 v3, v4  }
0xbe: {  	v4 =	vperm.xlane v3, v0;
	_ =	sdelay $0x1  }
0xbf: {  	v3 =	vperm.xlane v3, v2;
	v4 =	vadd.s32 v1, v4;
	_ =	sdelay $0x1  }
0xc0: {  	v3 =	vadd.s32 v1, v3;
	_ =	sdelay $0x2  }
0xc1: {  	[tilespmem:s25], [sflag:$0x1] =	stream.indirect_vreg.gather [hbm4b:s1+s3], $0x80, v4, vm0, $0xb8;
	[tilespmem:$0x12180] =	vst v63  }
0xc2: {  	_ = 	snop  }
0xc3: {  	[tilespmem:s26], [sflag:$0x1] =	stream.indirect_vreg.gather [hbm4b:s1+s3], $0x80, v3, vm0, $0xb8;
	[tilespmem:$0x12180] =	vst v63  }
0xc4: {  	v3 =	vld [tilespmem:$0x100];
	_ =	sdelay $0x4  }
0xc5: {  	v62 =	vshll.u32 v3, $0x1  }
0xc6: {  	v3 =	vand.u32 $0x7, v3;
	v4 =	vand.u32 $0xFFFFFFF0, v62  }
0xc7: {  	v3 =	vor.u32 v3, v4  }
0xc8: {  	v4 =	vperm.xlane v3, v0;
	_ =	sdelay $0x1  }
0xc9: {  	v3 =	vperm.xlane v3, v2;
	v4 =	vadd.s32 v1, v4;
	_ =	sdelay $0x1  }
0xca: {  	v3 =	vadd.s32 v1, v3;
	_ =	sdelay $0x2  }
0xcb: {  	[tilespmem:s28], [sflag:$0x1] =	stream.indirect_vreg.gather [hbm4b:s1+s3], $0x80, v4, vm0, $0xb8;
	[tilespmem:$0x12180] =	vst v63  }
0xcc: {  	_ = 	snop  }
0xcd: {  	[tilespmem:s29], [sflag:$0x1] =	stream.indirect_vreg.gather [hbm4b:s1+s3], $0x80, v3, vm0, $0xb8;
	[tilespmem:$0x12180] =	vst v63  }
0xce: {  	v3 =	vld [tilespmem:$0x110];
	_ =	sdelay $0x4  }
0xcf: {  	v63 =	vshll.u32 v3, $0x1  }
0xd0: {  	v3 =	vand.u32 $0x7, v3;
	v4 =	vand.u32 $0xFFFFFFF0, v63  }
0xd1: {  	v3 =	vor.u32 v3, v4  }
0xd2: {  	v4 =	vperm.xlane v3, v0;
	_ =	sdelay $0x1  }
0xd3: {  	v3 =	vperm.xlane v3, v2;
	v4 =	vadd.s32 v1, v4;
	_ =	sdelay $0x1  }
0xd4: {  	v3 =	vadd.s32 v1, v3;
	_ =	sdelay $0x2  }
0xd5: {  	[tilespmem:s30], [sflag:$0x1] =	stream.indirect_vreg.gather [hbm4b:s1+s3], $0x80, v4, vm0, $0xb8;
	[tilespmem:$0x12180] =	vst v63  }
0xd6: {  	_ = 	snop  }
0xd7: {  	[tilespmem:s31], [sflag:$0x1] =	stream.indirect_vreg.gather [hbm4b:s1+s3], $0x80, v3, vm0, $0xb8;
	[tilespmem:$0x12180] =	vst v63  }
0xd8: {  	_ =	swait.ge [sflag:s2], $0x12000  }
0xd9: {  	p0 =	sne.s32 s4, $0x1;
	[sflag:s2] =	ssyncset.done $0x0  }
.Ltmp0:
0xda: {  	s7 =	rddreg [dreg:$0x5];
	[sflag:s2] =	ssyncadd.s32 $0xFFFEE000;
	(pc) =	sbr.rel @p0 .LBB2_1-.Ltmp0, $4  }
0xdb: {  	[hbm4b:s7+s3] =	stream.linear.scatter [tilespmem:s6], [sflag:$0x2], $0x12000, $0x38;
	[tilespmem:$0x12180] =	vst v63  }
0xdc: {  	_ =	swait.ge [sflag:s5], $0x12000  }
0xdd: {  	[sflag:s5] =	ssyncset.done $0x0  }
0xde: {  	s4 =	sadd.s32 $0xFFFFFFFF, s4;
	[sflag:s5] =	ssyncadd.s32 $0xFFFEE000  }
0xdf: {  	_ =	sfence.sel $0x180000  }
0xe0: {  	[bflag:$0x0] =	sbarrier.arrive $0xFFFF  }
0xe1: {  	_ =	strace $0x90000047  }
0xe2: {  	s0 =	stileid.u32;
	[bflag:$0x2] =	sbarrier.arrive $0xFFFF  }
0xe3: {  	p0 =	sne.s32 s0, $0x0;
	s0 =	rddreg [dreg:$0x3]  }
0xe4: {  	s0 =	sadd.s32 @!p0 $0x100000, s0  }
0xe5: {  	[sflag:s0] =	ssyncadd.tile.s32 @!p0 $0x1;
	_ =	shalt  }
.Lfunc_end2:
_tile_overlayer_lowered:
.L_overlay_start_2:
0xe6: {  	(tag) =	ssettag $0x2  }
0xe7: {  	s0 =	rddreg [dreg:$0x0];
	s2 =	stileid.u32  }
0xe8: {  	s1 =	rddreg [dreg:$0x1];
	p0 =	sne.s32 s2, $0x0  }
0xe9: {  	s3 =	rddreg [dreg:$0x2];
	[bflag:$0x3] =	sbarrier.arrive $0xFFFF;
	s2 =	simm.s32 @!p0 $0x1C02  }
0xea: {  	[timem:s3], [sflag:s2] =	dma.local @!p0 [hbm:s0], s1  }
0xeb: {  	s0 =	simm.s32 @!p0 $0x2  }
0xec: {  	_ =	swait.ge @!p0 [sflag:s0], s1  }
0xed: {  	s1 =	ssub.s32 @!p0 $0x0, s1;
	[sflag:s0] =	ssyncset.done @!p0 $0x0  }
0xee: {  	[sflag:s0] =	ssyncadd.s32 @!p0 s1  }
0xef: {  	[bflag:$0x3] =	sbarrier.arrive $0xFFFF  }
0xf0: {  	_ =	shalt  }

</sc_bundles>
